<compile_context>
chip_gen: v7x
topology: tpu7x:2x2x1
jax: 0.10.2.dev20260603
libtpu: 0.0.44.dev20260713+nightly
codegen_flags: <defaults>
</compile_context>

<pallas_src>
import functools

import jax
import jax.numpy as jnp
from jax import lax
from jax.experimental import pallas as pl
from jax.experimental.pallas import tpu as pltpu
from jax.experimental.pallas import tpu_sc as plsc

KNN = 16
RB = 256
RBS = 512
GCH = 128


def _leaky(h):
    return jnp.where(h >= 0, h, 0.01 * h)


def _sq_row_kernel(x_ref, out_ref):
    xa = x_ref[0]
    ones = jnp.ones((1, xa.shape[1]), dtype=jnp.float32)
    out_ref[0] = jax.lax.dot_general(
        ones, xa * xa, (((1,), (1,)), ((), ())),
        precision=jax.lax.Precision.HIGHEST,
        preferred_element_type=jnp.float32)


def _sq_rows(x):
    B, N, C = x.shape
    return pl.pallas_call(
        _sq_row_kernel,
        grid=(B,),
        in_specs=[pl.BlockSpec((1, N, C), lambda bb: (bb, 0, 0))],
        out_specs=pl.BlockSpec((1, 1, N), lambda bb: (bb, 0, 0)),
        out_shape=jax.ShapeDtypeStruct((B, 1, N), jnp.float32),
    )(x)


def _select_kernel(x_blk_ref, x_all_ref, sq_ref, idx_ref, *, n):
    xb = x_blk_ref[0]
    rb = xb.shape[0]
    inner = jax.lax.dot_general(
        xb, x_all_ref[0], (((1,), (1,)), ((), ())),
        preferred_element_type=jnp.float32)
    sqb = jnp.sum(xb * xb, axis=1, keepdims=True)
    nd = 2.0 * inner - sqb - sq_ref[0]
    iota = jax.lax.broadcasted_iota(jnp.int32, (rb, n), 1)
    iotak = jax.lax.broadcasted_iota(jnp.int32, (rb, KNN), 1)
    neginf = jnp.float32(-jnp.inf)

    def body(t, carry):
        nd, idxacc = carry
        idx = jnp.argmax(nd, axis=1)[:, None]
        idxacc = jnp.where(iotak == t, idx, idxacc)
        nd = jnp.where(iota == idx, neginf, nd)
        return nd, idxacc

    _, idxacc = jax.lax.fori_loop(
        0, KNN, body, (nd, jnp.zeros((rb, KNN), jnp.int32)))
    idx_ref[0] = idxacc + pl.program_id(0) * n


def _select_conv(x, sq):
    B, N, C = x.shape
    return pl.pallas_call(
        functools.partial(_select_kernel, n=N),
        grid=(B, N // RBS),
        in_specs=[
            pl.BlockSpec((1, RBS, C), lambda bb, ii: (bb, ii, 0)),
            pl.BlockSpec((1, N, C), lambda bb, ii: (bb, 0, 0)),
            pl.BlockSpec((1, 1, N), lambda bb, ii: (bb, 0, 0)),
        ],
        out_specs=pl.BlockSpec((1, RBS, KNN), lambda bb, ii: (bb, ii, 0)),
        out_shape=jax.ShapeDtypeStruct((B, N, KNN), jnp.int32),
    )(x, x, sq)


def _sc_gather(xflat, idxflat):
    E = idxflat.shape[0]
    D = xflat.shape[1]
    info = plsc.get_sparse_core_info()
    nw = info.num_cores * info.num_subcores
    per_w = E // nw
    n_ch = per_w // GCH
    mesh = plsc.VectorSubcoreMesh(core_axis_name="c", subcore_axis_name="s")

    @functools.partial(
        pl.kernel, mesh=mesh,
        out_type=jax.ShapeDtypeStruct((E, D), jnp.float32),
        scratch_types=[
            pltpu.VMEM((GCH,), jnp.int32),
            pltpu.VMEM((GCH, D), jnp.float32),
            pltpu.SemaphoreType.DMA,
        ],
    )
    def gk(table_hbm, idx_hbm, out_hbm, idx_v, rows_v, sem):
        wid = lax.axis_index("s") * info.num_cores + lax.axis_index("c")
        wbase = wid * per_w

        def chunk(i, carry):
            base = wbase + i * GCH
            pltpu.sync_copy(idx_hbm.at[pl.ds(base, GCH)], idx_v)
            pltpu.async_copy(table_hbm.at[idx_v], rows_v, sem).wait()
            pltpu.sync_copy(rows_v, out_hbm.at[pl.ds(base, GCH)])
            return carry

        lax.fori_loop(0, n_ch, chunk, 0)

    return gk(xflat, idxflat)


def _mlp_core(xb, xj, w, b, c):
    rb = xb.shape[0]
    xj = xj[:, :c]
    hi = jax.lax.dot_general(
        xb, w[:c, :], (((1,), (0,)), ((), ())),
        preferred_element_type=jnp.float32) + b
    d3 = xj.reshape(rb, KNN, c) - xb[:, None, :]
    h2 = jax.lax.dot_general(
        d3.reshape(rb * KNN, c), w[c:, :], (((1,), (0,)), ((), ())),
        preferred_element_type=jnp.float32)
    macc = jnp.max(h2.reshape(rb, KNN, -1), axis=1)
    return _leaky(hi + macc)


def _mlp_kernel(x_blk_ref, xj_ref, w_ref, b_ref, out_ref, *, c):
    out_ref[0] = _mlp_core(x_blk_ref[0], xj_ref[0], w_ref[...], b_ref[0], c)


def _mlp_proj_kernel(x_blk_ref, xj_ref, w_ref, b_ref,
                     x0_ref, x1_ref, wp_ref, bp_ref, out_ref, *, c, c0):
    xb = x_blk_ref[0]
    x3 = _mlp_core(xb, xj_ref[0], w_ref[...], b_ref[0], c)
    wp0 = wp_ref[:c0, :]
    wp1 = wp_ref[c0:c0 + 64, :]
    wp2 = wp_ref[c0 + 64:c0 + 128, :]
    wp3 = wp_ref[c0 + 128:, :]
    acc = jnp.dot(x0_ref[0], wp0, preferred_element_type=jnp.float32)
    acc += jnp.dot(x1_ref[0], wp1, preferred_element_type=jnp.float32)
    acc += jnp.dot(xb, wp2, preferred_element_type=jnp.float32)
    acc += jnp.dot(x3, wp3, preferred_element_type=jnp.float32)
    out_ref[0] = acc + bp_ref[0]


def _edge_conv_sc(x, W, b, proj=None):
    B, N, C = x.shape
    cout = W.shape[1]
    sq = _sq_rows(x)
    idx = _select_conv(x, sq)
    xpad = jnp.pad(x.reshape(B * N, C), ((0, 0), (0, 128 - C)))
    xj = _sc_gather(xpad, idx.reshape(B * N * KNN))
    cj = xj.shape[1]
    xj = xj.reshape(B, N * KNN, cj)
    if proj is None:
        return pl.pallas_call(
            functools.partial(_mlp_kernel, c=C),
            grid=(B, N // RB),
            in_specs=[
                pl.BlockSpec((1, RB, C), lambda bb, ii: (bb, ii, 0)),
                pl.BlockSpec((1, RB * KNN, cj), lambda bb, ii: (bb, ii, 0)),
                pl.BlockSpec((2 * C, cout), lambda bb, ii: (0, 0)),
                pl.BlockSpec((1, cout), lambda bb, ii: (0, 0)),
            ],
            out_specs=pl.BlockSpec((1, RB, cout), lambda bb, ii: (bb, ii, 0)),
            out_shape=jax.ShapeDtypeStruct((B, N, cout), jnp.float32),
        )(x, xj, W, b.reshape(1, cout))
    x0, x1, Wp, bp = proj
    c0 = x0.shape[2]
    return pl.pallas_call(
        functools.partial(_mlp_proj_kernel, c=C, c0=c0),
        grid=(B, N // RB),
        in_specs=[
            pl.BlockSpec((1, RB, C), lambda bb, ii: (bb, ii, 0)),
            pl.BlockSpec((1, RB * KNN, cj), lambda bb, ii: (bb, ii, 0)),
            pl.BlockSpec((2 * C, cout), lambda bb, ii: (0, 0)),
            pl.BlockSpec((1, cout), lambda bb, ii: (0, 0)),
            pl.BlockSpec((1, RB, c0), lambda bb, ii: (bb, ii, 0)),
            pl.BlockSpec((1, RB, 64), lambda bb, ii: (bb, ii, 0)),
            pl.BlockSpec((c0 + 192, 64), lambda bb, ii: (0, 0)),
            pl.BlockSpec((1, 64), lambda bb, ii: (0, 0)),
        ],
        out_specs=pl.BlockSpec((1, RB, 64), lambda bb, ii: (bb, ii, 0)),
        out_shape=jax.ShapeDtypeStruct((B, N, 64), jnp.float32),
    )(x, xj, W, b.reshape(1, cout), x0, x1, Wp, bp.reshape(1, 64))


def _layer_split(x, W, b, proj=None):
    h = x.shape[0] // 2
    if proj is None:
        lo = _edge_conv_sc(x[:h], W, b)
        hi = _edge_conv_sc(x[h:], W, b)
    else:
        x0, x1, Wp, bp = proj
        lo = _edge_conv_sc(x[:h], W, b, (x0[:h], x1[:h], Wp, bp))
        hi = _edge_conv_sc(x[h:], W, b, (x0[h:], x1[h:], Wp, bp))
    return jnp.concatenate([lo, hi], axis=0)


def kernel(x, W1, b1, W2, b2, W3, b3, Wp, bp):
    x1 = _layer_split(x, W1, b1)
    x2 = _layer_split(x1, W2, b2)
    return _layer_split(x2, W3, b3, (x, x1, Wp, bp))

# --- scband reference (transcript-rebuilt; emitter-appended) ---
"""Pipeline reference for scband-dgcnn-78640851189977 (READ-ONLY COPY).

The authoritative reference and input builder live on the scoring server;
editing this copy changes nothing except your own understanding.
"""

import jax, jax.numpy as jnp
import numpy as np

K = 16

def knn_idx(x, k):
    # x: [B, N, C] -> idx: [B, N, k] indices of k nearest neighbors (incl. self)
    inner = jnp.einsum('bnc,bmc->bnm', x, x)
    sq = jnp.sum(x * x, axis=-1)
    neg_dist = 2.0 * inner - sq[:, :, None] - sq[:, None, :]
    _, idx = jax.lax.top_k(neg_dist, k)
    return idx

def edge_conv(x, W, b, k):
    # x: [B, N, C]; W: [2C, Cout]; b: [Cout]
    B, N, C = x.shape
    idx = knn_idx(x, k)  # [B, N, k]
    x_j = jax.vmap(lambda xb, ib: xb[ib])(x, idx)  # gather: [B, N, k, C]
    x_i = jnp.broadcast_to(x[:, :, None, :], (B, N, k, C))
    e = jnp.concatenate([x_i, x_j - x_i], axis=-1)  # [B, N, k, 2C]
    h = jnp.einsum('bnke,eo->bnko', e, W) + b
    h = jax.nn.leaky_relu(h, negative_slope=0.01)
    return jnp.max(h, axis=2)  # [B, N, Cout]

def setup_inputs(seed: int = 0) -> dict:
    key = jax.random.key(seed)
    ks = jax.random.split(key, 10)
    B, N, Cin, Cout = 4, 4096, 3, 64
    x = jax.random.normal(ks[0], (B, N, Cin), dtype=jnp.float32)
    s1 = 1.0 / np.sqrt(2 * Cin)
    s2 = 1.0 / np.sqrt(2 * Cout)
    sp = 1.0 / np.sqrt(Cin + 3 * Cout)
    W1 = jax.random.normal(ks[1], (2 * Cin, Cout), dtype=jnp.float32) * s1
    b1 = jnp.zeros((Cout,), dtype=jnp.float32)
    W2 = jax.random.normal(ks[2], (2 * Cout, Cout), dtype=jnp.float32) * s2
    b2 = jnp.zeros((Cout,), dtype=jnp.float32)
    W3 = jax.random.normal(ks[3], (2 * Cout, Cout), dtype=jnp.float32) * s2
    b3 = jnp.zeros((Cout,), dtype=jnp.float32)
    Wp = jax.random.normal(ks[4], (Cin + 3 * Cout, Cout), dtype=jnp.float32) * sp
    bp = jnp.zeros((Cout,), dtype=jnp.float32)
    return {"x": x, "W1": W1, "b1": b1, "W2": W2, "b2": b2, "W3": W3, "b3": b3, "Wp": Wp, "bp": bp}

def reference(x, W1, b1, W2, b2, W3, b3, Wp, bp):
    x1 = edge_conv(x, W1, b1, K)
    x2 = edge_conv(x1, W2, b2, K)
    x3 = edge_conv(x2, W3, b3, K)
    cat = jnp.concatenate([x, x1, x2, x3], axis=-1)  # [B, N, Cin + 3*Cout]
    out = jnp.einsum('bnc,co->bno', cat, Wp) + bp  # 1x1 conv projection
    return out

if __name__ == "__main__":
    import jax
    _d = setup_inputs()
    print(jax.jit(kernel)(*tuple(_d.values())))

</pallas_src>

<mosaic_0001>
#map = affine_map<(d0, d1) -> (0, 0)>
#map1 = affine_map<(d0, d1) -> (0)>
module attributes {stable_mosaic.version = 14 : i64} {
  func.func @gk(%arg0: i32, %arg1: i32, %arg2: memref<8192x128xf32, #tpu.memory_space<hbm>>, %arg3: memref<131072xi32, #tpu.memory_space<hbm>>, %arg4: memref<131072x128xf32, #tpu.memory_space<hbm>>, %arg5: memref<128xi32, #tpu.memory_space<vmem>>, %arg6: memref<128x128xf32, #tpu.memory_space<vmem>>, %arg7: memref<!tpu.dma_semaphore, #tpu.memory_space<semaphore_mem>>) attributes {dimension_semantics = [#tpu.dimension_semantics<core_parallel>, #tpu.dimension_semantics<subcore_parallel>], iteration_bounds = array<i64: 2, 16>, scalar_prefetch = 0 : i64, scratch_operands = 3 : i64, tpu.core_type = #tpu.core_type<sc_vector_subcore>, window_params = [{transform_indices = #map}, {transform_indices = #map1}, {transform_indices = #map}]} {
    %mul3A = arith.constant 2 : i32
    %mul3A_0 = arith.muli %arg1, %mul3A : i32
    %add3A = arith.addi %mul3A_0, %arg0 : i32
    %mul3A_1 = arith.constant 4096 : i32
    %mul3A_2 = arith.muli %add3A, %mul3A_1 : i32
    %scan3A = arith.constant 0 : i32
    %scan3A_3 = arith.constant 0 : i32
    %scan3A_4 = arith.constant 32 : i32
    %scan3A_5 = arith.addi %scan3A_3, %scan3A_4 : i32
    %scan3A_6 = arith.constant 1 : i32
    scf.for %scan3A_8 = %scan3A_3 to %scan3A_5 step %scan3A_6  : i32 {
      %mul3A_9 = arith.constant 128 : i32
      %mul3A_10 = arith.muli %scan3A_8, %mul3A_9 : i32
      %add3A_11 = arith.addi %mul3A_2, %mul3A_10 : i32
      "tpu.region"() ({
        %run_scoped3A = tpu.sem_alloc : memref<!tpu.dma_semaphore, #tpu.memory_space<semaphore_mem>>
        %dma_start3A_16 = tpu.memref_slice %arg3[%add3A_11] : memref<131072xi32, #tpu.memory_space<hbm>> -> memref<128xi32, #tpu.memory_space<hbm>>
        %dma_start3A_17 = tpu.memref_slice %arg3[%add3A_11] : memref<131072xi32, #tpu.memory_space<hbm>> -> memref<128xi32, #tpu.memory_space<hbm>>
        tpu.enqueue_dma source(%dma_start3A_17 : memref<128xi32, #tpu.memory_space<hbm>>) target(%arg5 : memref<128xi32, #tpu.memory_space<vmem>>) target_semaphore(%run_scoped3A : memref<!tpu.dma_semaphore, #tpu.memory_space<semaphore_mem>>)
        %dma_wait3A_18 = tpu.memref_slice %arg3[%add3A_11] : memref<131072xi32, #tpu.memory_space<hbm>> -> memref<128xi32, #tpu.memory_space<hbm>>
        %dma_wait3A_19 = tpu.memref_slice %arg3[%add3A_11] : memref<131072xi32, #tpu.memory_space<hbm>> -> memref<128xi32, #tpu.memory_space<hbm>>
        tpu.wait_dma2 semaphore(%run_scoped3A : memref<!tpu.dma_semaphore, #tpu.memory_space<semaphore_mem>>) src(%dma_wait3A_19 : memref<128xi32, #tpu.memory_space<hbm>>) dst(%arg5 : memref<128xi32, #tpu.memory_space<vmem>>)
        tpu.yield
      }) : () -> ()
      %dma_start3A = arith.constant 0 : i32
      %dma_start3A_12 = arith.constant 0 : i32
      %dma_start3A_13 = tpu.memref_slice %arg2[%dma_start3A, %dma_start3A_12] : memref<8192x128xf32, #tpu.memory_space<hbm>> -> memref<8192x128xf32, #tpu.memory_space<hbm>>
      tpu.enqueue_indirect_dma source(%dma_start3A_13 : memref<8192x128xf32, #tpu.memory_space<hbm>>) target(%arg6 : memref<128x128xf32, #tpu.memory_space<vmem>>) offsets(%arg5 : memref<128xi32, #tpu.memory_space<vmem>>) semaphore(%arg7 : memref<!tpu.dma_semaphore, #tpu.memory_space<semaphore_mem>>)
      %dma_wait3A = arith.constant 0 : i32
      %dma_wait3A_14 = arith.constant 0 : i32
      %dma_wait3A_15 = tpu.memref_slice %arg2[%dma_wait3A, %dma_wait3A_14] : memref<8192x128xf32, #tpu.memory_space<hbm>> -> memref<8192x128xf32, #tpu.memory_space<hbm>>
      tpu.wait_indirect_dma semaphore(%arg7 : memref<!tpu.dma_semaphore, #tpu.memory_space<semaphore_mem>>) src(%dma_wait3A_15 : memref<8192x128xf32, #tpu.memory_space<hbm>>) dst(%arg6 : memref<128x128xf32, #tpu.memory_space<vmem>>)
      "tpu.region"() ({
        %run_scoped3A = tpu.sem_alloc : memref<!tpu.dma_semaphore, #tpu.memory_space<semaphore_mem>>
        %dma_start3A_16 = arith.constant 0 : i32
        %dma_start3A_17 = tpu.memref_slice %arg4[%add3A_11, %dma_start3A_16] : memref<131072x128xf32, #tpu.memory_space<hbm>> -> memref<128x128xf32, #tpu.memory_space<hbm>>
        %dma_start3A_18 = arith.constant 0 : i32
        %dma_start3A_19 = tpu.memref_slice %arg4[%add3A_11, %dma_start3A_18] : memref<131072x128xf32, #tpu.memory_space<hbm>> -> memref<128x128xf32, #tpu.memory_space<hbm>>
        tpu.enqueue_dma source(%arg6 : memref<128x128xf32, #tpu.memory_space<vmem>>) target(%dma_start3A_19 : memref<128x128xf32, #tpu.memory_space<hbm>>) target_semaphore(%run_scoped3A : memref<!tpu.dma_semaphore, #tpu.memory_space<semaphore_mem>>)
        %dma_wait3A_20 = arith.constant 0 : i32
        %dma_wait3A_21 = tpu.memref_slice %arg4[%add3A_11, %dma_wait3A_20] : memref<131072x128xf32, #tpu.memory_space<hbm>> -> memref<128x128xf32, #tpu.memory_space<hbm>>
        %dma_wait3A_22 = arith.constant 0 : i32
        %dma_wait3A_23 = tpu.memref_slice %arg4[%add3A_11, %dma_wait3A_22] : memref<131072x128xf32, #tpu.memory_space<hbm>> -> memref<128x128xf32, #tpu.memory_space<hbm>>
        tpu.wait_dma2 semaphore(%run_scoped3A : memref<!tpu.dma_semaphore, #tpu.memory_space<semaphore_mem>>) src(%arg6 : memref<128x128xf32, #tpu.memory_space<vmem>>) dst(%dma_wait3A_23 : memref<128x128xf32, #tpu.memory_space<hbm>>)
        tpu.yield
      }) : () -> ()
    }
    %scan3A_7 = arith.constant 32 : i32
    return
  }
}

#map = affine_map<(d0, d1) -> (0, 0)>
#map1 = affine_map<(d0, d1) -> (0)>
module attributes {stable_mosaic.version = 14 : i64} {
  func.func @gk(%arg0: i32, %arg1: i32, %arg2: memref<8192x128xf32, #tpu.memory_space<hbm>>, %arg3: memref<131072xi32, #tpu.memory_space<hbm>>, %arg4: memref<131072x128xf32, #tpu.memory_space<hbm>>, %arg5: memref<128xi32, #tpu.memory_space<vmem>>, %arg6: memref<128x128xf32, #tpu.memory_space<vmem>>, %arg7: memref<!tpu.dma_semaphore, #tpu.memory_space<semaphore_mem>>) attributes {dimension_semantics = [#tpu.dimension_semantics<core_parallel>, #tpu.dimension_semantics<subcore_parallel>], iteration_bounds = array<i64: 2, 16>, scalar_prefetch = 0 : i64, scratch_operands = 3 : i64, tpu.core_type = #tpu.core_type<sc_vector_subcore>, window_params = [{transform_indices = #map}, {transform_indices = #map1}, {transform_indices = #map}]} {
    %mul3A = arith.constant 2 : i32
    %mul3A_0 = arith.muli %arg1, %mul3A : i32
    %add3A = arith.addi %mul3A_0, %arg0 : i32
    %mul3A_1 = arith.constant 4096 : i32
    %mul3A_2 = arith.muli %add3A, %mul3A_1 : i32
    %scan3A = arith.constant 0 : i32
    %scan3A_3 = arith.constant 0 : i32
    %scan3A_4 = arith.constant 32 : i32
    %scan3A_5 = arith.addi %scan3A_3, %scan3A_4 : i32
    %scan3A_6 = arith.constant 1 : i32
    scf.for %scan3A_8 = %scan3A_3 to %scan3A_5 step %scan3A_6  : i32 {
      %mul3A_9 = arith.constant 128 : i32
      %mul3A_10 = arith.muli %scan3A_8, %mul3A_9 : i32
      %add3A_11 = arith.addi %mul3A_2, %mul3A_10 : i32
      "tpu.region"() ({
        %run_scoped3A = tpu.sem_alloc : memref<!tpu.dma_semaphore, #tpu.memory_space<semaphore_mem>>
        %dma_start3A_16 = tpu.memref_slice %arg3[%add3A_11] : memref<131072xi32, #tpu.memory_space<hbm>> -> memref<128xi32, #tpu.memory_space<hbm>>
        %dma_start3A_17 = tpu.memref_slice %arg3[%add3A_11] : memref<131072xi32, #tpu.memory_space<hbm>> -> memref<128xi32, #tpu.memory_space<hbm>>
        tpu.enqueue_dma source(%dma_start3A_17 : memref<128xi32, #tpu.memory_space<hbm>>) target(%arg5 : memref<128xi32, #tpu.memory_space<vmem>>) target_semaphore(%run_scoped3A : memref<!tpu.dma_semaphore, #tpu.memory_space<semaphore_mem>>)
        %dma_wait3A_18 = tpu.memref_slice %arg3[%add3A_11] : memref<131072xi32, #tpu.memory_space<hbm>> -> memref<128xi32, #tpu.memory_space<hbm>>
        %dma_wait3A_19 = tpu.memref_slice %arg3[%add3A_11] : memref<131072xi32, #tpu.memory_space<hbm>> -> memref<128xi32, #tpu.memory_space<hbm>>
        tpu.wait_dma2 semaphore(%run_scoped3A : memref<!tpu.dma_semaphore, #tpu.memory_space<semaphore_mem>>) src(%dma_wait3A_19 : memref<128xi32, #tpu.memory_space<hbm>>) dst(%arg5 : memref<128xi32, #tpu.memory_space<vmem>>)
        tpu.yield
      }) : () -> ()
      %dma_start3A = arith.constant 0 : i32
      %dma_start3A_12 = arith.constant 0 : i32
      %dma_start3A_13 = tpu.memref_slice %arg2[%dma_start3A, %dma_start3A_12] : memref<8192x128xf32, #tpu.memory_space<hbm>> -> memref<8192x128xf32, #tpu.memory_space<hbm>>
      tpu.enqueue_indirect_dma source(%dma_start3A_13 : memref<8192x128xf32, #tpu.memory_space<hbm>>) target(%arg6 : memref<128x128xf32, #tpu.memory_space<vmem>>) offsets(%arg5 : memref<128xi32, #tpu.memory_space<vmem>>) semaphore(%arg7 : memref<!tpu.dma_semaphore, #tpu.memory_space<semaphore_mem>>)
      %dma_wait3A = arith.constant 0 : i32
      %dma_wait3A_14 = arith.constant 0 : i32
      %dma_wait3A_15 = tpu.memref_slice %arg2[%dma_wait3A, %dma_wait3A_14] : memref<8192x128xf32, #tpu.memory_space<hbm>> -> memref<8192x128xf32, #tpu.memory_space<hbm>>
      tpu.wait_indirect_dma semaphore(%arg7 : memref<!tpu.dma_semaphore, #tpu.memory_space<semaphore_mem>>) src(%dma_wait3A_15 : memref<8192x128xf32, #tpu.memory_space<hbm>>) dst(%arg6 : memref<128x128xf32, #tpu.memory_space<vmem>>)
      "tpu.region"() ({
        %run_scoped3A = tpu.sem_alloc : memref<!tpu.dma_semaphore, #tpu.memory_space<semaphore_mem>>
        %dma_start3A_16 = arith.constant 0 : i32
        %dma_start3A_17 = tpu.memref_slice %arg4[%add3A_11, %dma_start3A_16] : memref<131072x128xf32, #tpu.memory_space<hbm>> -> memref<128x128xf32, #tpu.memory_space<hbm>>
        %dma_start3A_18 = arith.constant 0 : i32
        %dma_start3A_19 = tpu.memref_slice %arg4[%add3A_11, %dma_start3A_18] : memref<131072x128xf32, #tpu.memory_space<hbm>> -> memref<128x128xf32, #tpu.memory_space<hbm>>
        tpu.enqueue_dma source(%arg6 : memref<128x128xf32, #tpu.memory_space<vmem>>) target(%dma_start3A_19 : memref<128x128xf32, #tpu.memory_space<hbm>>) target_semaphore(%run_scoped3A : memref<!tpu.dma_semaphore, #tpu.memory_space<semaphore_mem>>)
        %dma_wait3A_20 = arith.constant 0 : i32
        %dma_wait3A_21 = tpu.memref_slice %arg4[%add3A_11, %dma_wait3A_20] : memref<131072x128xf32, #tpu.memory_space<hbm>> -> memref<128x128xf32, #tpu.memory_space<hbm>>
        %dma_wait3A_22 = arith.constant 0 : i32
        %dma_wait3A_23 = tpu.memref_slice %arg4[%add3A_11, %dma_wait3A_22] : memref<131072x128xf32, #tpu.memory_space<hbm>> -> memref<128x128xf32, #tpu.memory_space<hbm>>
        tpu.wait_dma2 semaphore(%run_scoped3A : memref<!tpu.dma_semaphore, #tpu.memory_space<semaphore_mem>>) src(%arg6 : memref<128x128xf32, #tpu.memory_space<vmem>>) dst(%dma_wait3A_23 : memref<128x128xf32, #tpu.memory_space<hbm>>)
        tpu.yield
      }) : () -> ()
    }
    %scan3A_7 = arith.constant 32 : i32
    return
  }
}

#map = affine_map<(d0, d1) -> (0, 0)>
#map1 = affine_map<(d0, d1) -> (0)>
module attributes {stable_mosaic.version = 14 : i64} {
  func.func @gk(%arg0: i32, %arg1: i32, %arg2: memref<8192x128xf32, #tpu.memory_space<hbm>>, %arg3: memref<131072xi32, #tpu.memory_space<hbm>>, %arg4: memref<131072x128xf32, #tpu.memory_space<hbm>>, %arg5: memref<128xi32, #tpu.memory_space<vmem>>, %arg6: memref<128x128xf32, #tpu.memory_space<vmem>>, %arg7: memref<!tpu.dma_semaphore, #tpu.memory_space<semaphore_mem>>) attributes {dimension_semantics = [#tpu.dimension_semantics<core_parallel>, #tpu.dimension_semantics<subcore_parallel>], iteration_bounds = array<i64: 2, 16>, scalar_prefetch = 0 : i64, scratch_operands = 3 : i64, tpu.core_type = #tpu.core_type<sc_vector_subcore>, window_params = [{transform_indices = #map}, {transform_indices = #map1}, {transform_indices = #map}]} {
    %mul3A = arith.constant 2 : i32
    %mul3A_0 = arith.muli %arg1, %mul3A : i32
    %add3A = arith.addi %mul3A_0, %arg0 : i32
    %mul3A_1 = arith.constant 4096 : i32
    %mul3A_2 = arith.muli %add3A, %mul3A_1 : i32
    %scan3A = arith.constant 0 : i32
    %scan3A_3 = arith.constant 0 : i32
    %scan3A_4 = arith.constant 32 : i32
    %scan3A_5 = arith.addi %scan3A_3, %scan3A_4 : i32
    %scan3A_6 = arith.constant 1 : i32
    scf.for %scan3A_8 = %scan3A_3 to %scan3A_5 step %scan3A_6  : i32 {
      %mul3A_9 = arith.constant 128 : i32
      %mul3A_10 = arith.muli %scan3A_8, %mul3A_9 : i32
      %add3A_11 = arith.addi %mul3A_2, %mul3A_10 : i32
      "tpu.region"() ({
        %run_scoped3A = tpu.sem_alloc : memref<!tpu.dma_semaphore, #tpu.memory_space<semaphore_mem>>
        %dma_start3A_16 = tpu.memref_slice %arg3[%add3A_11] : memref<131072xi32, #tpu.memory_space<hbm>> -> memref<128xi32, #tpu.memory_space<hbm>>
        %dma_start3A_17 = tpu.memref_slice %arg3[%add3A_11] : memref<131072xi32, #tpu.memory_space<hbm>> -> memref<128xi32, #tpu.memory_space<hbm>>
        tpu.enqueue_dma source(%dma_start3A_17 : memref<128xi32, #tpu.memory_space<hbm>>) target(%arg5 : memref<128xi32, #tpu.memory_space<vmem>>) target_semaphore(%run_scoped3A : memref<!tpu.dma_semaphore, #tpu.memory_space<semaphore_mem>>)
        %dma_wait3A_18 = tpu.memref_slice %arg3[%add3A_11] : memref<131072xi32, #tpu.memory_space<hbm>> -> memref<128xi32, #tpu.memory_space<hbm>>
        %dma_wait3A_19 = tpu.memref_slice %arg3[%add3A_11] : memref<131072xi32, #tpu.memory_space<hbm>> -> memref<128xi32, #tpu.memory_space<hbm>>
        tpu.wait_dma2 semaphore(%run_scoped3A : memref<!tpu.dma_semaphore, #tpu.memory_space<semaphore_mem>>) src(%dma_wait3A_19 : memref<128xi32, #tpu.memory_space<hbm>>) dst(%arg5 : memref<128xi32, #tpu.memory_space<vmem>>)
        tpu.yield
      }) : () -> ()
      %dma_start3A = arith.constant 0 : i32
      %dma_start3A_12 = arith.constant 0 : i32
      %dma_start3A_13 = tpu.memref_slice %arg2[%dma_start3A, %dma_start3A_12] : memref<8192x128xf32, #tpu.memory_space<hbm>> -> memref<8192x128xf32, #tpu.memory_space<hbm>>
      tpu.enqueue_indirect_dma source(%dma_start3A_13 : memref<8192x128xf32, #tpu.memory_space<hbm>>) target(%arg6 : memref<128x128xf32, #tpu.memory_space<vmem>>) offsets(%arg5 : memref<128xi32, #tpu.memory_space<vmem>>) semaphore(%arg7 : memref<!tpu.dma_semaphore, #tpu.memory_space<semaphore_mem>>)
      %dma_wait3A = arith.constant 0 : i32
      %dma_wait3A_14 = arith.constant 0 : i32
      %dma_wait3A_15 = tpu.memref_slice %arg2[%dma_wait3A, %dma_wait3A_14] : memref<8192x128xf32, #tpu.memory_space<hbm>> -> memref<8192x128xf32, #tpu.memory_space<hbm>>
      tpu.wait_indirect_dma semaphore(%arg7 : memref<!tpu.dma_semaphore, #tpu.memory_space<semaphore_mem>>) src(%dma_wait3A_15 : memref<8192x128xf32, #tpu.memory_space<hbm>>) dst(%arg6 : memref<128x128xf32, #tpu.memory_space<vmem>>)
      "tpu.region"() ({
        %run_scoped3A = tpu.sem_alloc : memref<!tpu.dma_semaphore, #tpu.memory_space<semaphore_mem>>
        %dma_start3A_16 = arith.constant 0 : i32
        %dma_start3A_17 = tpu.memref_slice %arg4[%add3A_11, %dma_start3A_16] : memref<131072x128xf32, #tpu.memory_space<hbm>> -> memref<128x128xf32, #tpu.memory_space<hbm>>
        %dma_start3A_18 = arith.constant 0 : i32
        %dma_start3A_19 = tpu.memref_slice %arg4[%add3A_11, %dma_start3A_18] : memref<131072x128xf32, #tpu.memory_space<hbm>> -> memref<128x128xf32, #tpu.memory_space<hbm>>
        tpu.enqueue_dma source(%arg6 : memref<128x128xf32, #tpu.memory_space<vmem>>) target(%dma_start3A_19 : memref<128x128xf32, #tpu.memory_space<hbm>>) target_semaphore(%run_scoped3A : memref<!tpu.dma_semaphore, #tpu.memory_space<semaphore_mem>>)
        %dma_wait3A_20 = arith.constant 0 : i32
        %dma_wait3A_21 = tpu.memref_slice %arg4[%add3A_11, %dma_wait3A_20] : memref<131072x128xf32, #tpu.memory_space<hbm>> -> memref<128x128xf32, #tpu.memory_space<hbm>>
        %dma_wait3A_22 = arith.constant 0 : i32
        %dma_wait3A_23 = tpu.memref_slice %arg4[%add3A_11, %dma_wait3A_22] : memref<131072x128xf32, #tpu.memory_space<hbm>> -> memref<128x128xf32, #tpu.memory_space<hbm>>
        tpu.wait_dma2 semaphore(%run_scoped3A : memref<!tpu.dma_semaphore, #tpu.memory_space<semaphore_mem>>) src(%arg6 : memref<128x128xf32, #tpu.memory_space<vmem>>) dst(%dma_wait3A_23 : memref<128x128xf32, #tpu.memory_space<hbm>>)
        tpu.yield
      }) : () -> ()
    }
    %scan3A_7 = arith.constant 32 : i32
    return
  }
}

#map = affine_map<(d0, d1) -> (0, 0)>
#map1 = affine_map<(d0, d1) -> (0)>
module attributes {stable_mosaic.version = 14 : i64} {
  func.func @gk(%arg0: i32, %arg1: i32, %arg2: memref<8192x128xf32, #tpu.memory_space<hbm>>, %arg3: memref<131072xi32, #tpu.memory_space<hbm>>, %arg4: memref<131072x128xf32, #tpu.memory_space<hbm>>, %arg5: memref<128xi32, #tpu.memory_space<vmem>>, %arg6: memref<128x128xf32, #tpu.memory_space<vmem>>, %arg7: memref<!tpu.dma_semaphore, #tpu.memory_space<semaphore_mem>>) attributes {dimension_semantics = [#tpu.dimension_semantics<core_parallel>, #tpu.dimension_semantics<subcore_parallel>], iteration_bounds = array<i64: 2, 16>, scalar_prefetch = 0 : i64, scratch_operands = 3 : i64, tpu.core_type = #tpu.core_type<sc_vector_subcore>, window_params = [{transform_indices = #map}, {transform_indices = #map1}, {transform_indices = #map}]} {
    %mul3A = arith.constant 2 : i32
    %mul3A_0 = arith.muli %arg1, %mul3A : i32
    %add3A = arith.addi %mul3A_0, %arg0 : i32
    %mul3A_1 = arith.constant 4096 : i32
    %mul3A_2 = arith.muli %add3A, %mul3A_1 : i32
    %scan3A = arith.constant 0 : i32
    %scan3A_3 = arith.constant 0 : i32
    %scan3A_4 = arith.constant 32 : i32
    %scan3A_5 = arith.addi %scan3A_3, %scan3A_4 : i32
    %scan3A_6 = arith.constant 1 : i32
    scf.for %scan3A_8 = %scan3A_3 to %scan3A_5 step %scan3A_6  : i32 {
      %mul3A_9 = arith.constant 128 : i32
      %mul3A_10 = arith.muli %scan3A_8, %mul3A_9 : i32
      %add3A_11 = arith.addi %mul3A_2, %mul3A_10 : i32
      "tpu.region"() ({
        %run_scoped3A = tpu.sem_alloc : memref<!tpu.dma_semaphore, #tpu.memory_space<semaphore_mem>>
        %dma_start3A_16 = tpu.memref_slice %arg3[%add3A_11] : memref<131072xi32, #tpu.memory_space<hbm>> -> memref<128xi32, #tpu.memory_space<hbm>>
        %dma_start3A_17 = tpu.memref_slice %arg3[%add3A_11] : memref<131072xi32, #tpu.memory_space<hbm>> -> memref<128xi32, #tpu.memory_space<hbm>>
        tpu.enqueue_dma source(%dma_start3A_17 : memref<128xi32, #tpu.memory_space<hbm>>) target(%arg5 : memref<128xi32, #tpu.memory_space<vmem>>) target_semaphore(%run_scoped3A : memref<!tpu.dma_semaphore, #tpu.memory_space<semaphore_mem>>)
        %dma_wait3A_18 = tpu.memref_slice %arg3[%add3A_11] : memref<131072xi32, #tpu.memory_space<hbm>> -> memref<128xi32, #tpu.memory_space<hbm>>
        %dma_wait3A_19 = tpu.memref_slice %arg3[%add3A_11] : memref<131072xi32, #tpu.memory_space<hbm>> -> memref<128xi32, #tpu.memory_space<hbm>>
        tpu.wait_dma2 semaphore(%run_scoped3A : memref<!tpu.dma_semaphore, #tpu.memory_space<semaphore_mem>>) src(%dma_wait3A_19 : memref<128xi32, #tpu.memory_space<hbm>>) dst(%arg5 : memref<128xi32, #tpu.memory_space<vmem>>)
        tpu.yield
      }) : () -> ()
      %dma_start3A = arith.constant 0 : i32
      %dma_start3A_12 = arith.constant 0 : i32
      %dma_start3A_13 = tpu.memref_slice %arg2[%dma_start3A, %dma_start3A_12] : memref<8192x128xf32, #tpu.memory_space<hbm>> -> memref<8192x128xf32, #tpu.memory_space<hbm>>
      tpu.enqueue_indirect_dma source(%dma_start3A_13 : memref<8192x128xf32, #tpu.memory_space<hbm>>) target(%arg6 : memref<128x128xf32, #tpu.memory_space<vmem>>) offsets(%arg5 : memref<128xi32, #tpu.memory_space<vmem>>) semaphore(%arg7 : memref<!tpu.dma_semaphore, #tpu.memory_space<semaphore_mem>>)
      %dma_wait3A = arith.constant 0 : i32
      %dma_wait3A_14 = arith.constant 0 : i32
      %dma_wait3A_15 = tpu.memref_slice %arg2[%dma_wait3A, %dma_wait3A_14] : memref<8192x128xf32, #tpu.memory_space<hbm>> -> memref<8192x128xf32, #tpu.memory_space<hbm>>
      tpu.wait_indirect_dma semaphore(%arg7 : memref<!tpu.dma_semaphore, #tpu.memory_space<semaphore_mem>>) src(%dma_wait3A_15 : memref<8192x128xf32, #tpu.memory_space<hbm>>) dst(%arg6 : memref<128x128xf32, #tpu.memory_space<vmem>>)
      "tpu.region"() ({
        %run_scoped3A = tpu.sem_alloc : memref<!tpu.dma_semaphore, #tpu.memory_space<semaphore_mem>>
        %dma_start3A_16 = arith.constant 0 : i32
        %dma_start3A_17 = tpu.memref_slice %arg4[%add3A_11, %dma_start3A_16] : memref<131072x128xf32, #tpu.memory_space<hbm>> -> memref<128x128xf32, #tpu.memory_space<hbm>>
        %dma_start3A_18 = arith.constant 0 : i32
        %dma_start3A_19 = tpu.memref_slice %arg4[%add3A_11, %dma_start3A_18] : memref<131072x128xf32, #tpu.memory_space<hbm>> -> memref<128x128xf32, #tpu.memory_space<hbm>>
        tpu.enqueue_dma source(%arg6 : memref<128x128xf32, #tpu.memory_space<vmem>>) target(%dma_start3A_19 : memref<128x128xf32, #tpu.memory_space<hbm>>) target_semaphore(%run_scoped3A : memref<!tpu.dma_semaphore, #tpu.memory_space<semaphore_mem>>)
        %dma_wait3A_20 = arith.constant 0 : i32
        %dma_wait3A_21 = tpu.memref_slice %arg4[%add3A_11, %dma_wait3A_20] : memref<131072x128xf32, #tpu.memory_space<hbm>> -> memref<128x128xf32, #tpu.memory_space<hbm>>
        %dma_wait3A_22 = arith.constant 0 : i32
        %dma_wait3A_23 = tpu.memref_slice %arg4[%add3A_11, %dma_wait3A_22] : memref<131072x128xf32, #tpu.memory_space<hbm>> -> memref<128x128xf32, #tpu.memory_space<hbm>>
        tpu.wait_dma2 semaphore(%run_scoped3A : memref<!tpu.dma_semaphore, #tpu.memory_space<semaphore_mem>>) src(%arg6 : memref<128x128xf32, #tpu.memory_space<vmem>>) dst(%dma_wait3A_23 : memref<128x128xf32, #tpu.memory_space<hbm>>)
        tpu.yield
      }) : () -> ()
    }
    %scan3A_7 = arith.constant 32 : i32
    return
  }
}

#map = affine_map<(d0, d1) -> (0, 0)>
#map1 = affine_map<(d0, d1) -> (0)>
module attributes {stable_mosaic.version = 14 : i64} {
  func.func @gk(%arg0: i32, %arg1: i32, %arg2: memref<8192x128xf32, #tpu.memory_space<hbm>>, %arg3: memref<131072xi32, #tpu.memory_space<hbm>>, %arg4: memref<131072x128xf32, #tpu.memory_space<hbm>>, %arg5: memref<128xi32, #tpu.memory_space<vmem>>, %arg6: memref<128x128xf32, #tpu.memory_space<vmem>>, %arg7: memref<!tpu.dma_semaphore, #tpu.memory_space<semaphore_mem>>) attributes {dimension_semantics = [#tpu.dimension_semantics<core_parallel>, #tpu.dimension_semantics<subcore_parallel>], iteration_bounds = array<i64: 2, 16>, scalar_prefetch = 0 : i64, scratch_operands = 3 : i64, tpu.core_type = #tpu.core_type<sc_vector_subcore>, window_params = [{transform_indices = #map}, {transform_indices = #map1}, {transform_indices = #map}]} {
    %mul3A = arith.constant 2 : i32
    %mul3A_0 = arith.muli %arg1, %mul3A : i32
    %add3A = arith.addi %mul3A_0, %arg0 : i32
    %mul3A_1 = arith.constant 4096 : i32
    %mul3A_2 = arith.muli %add3A, %mul3A_1 : i32
    %scan3A = arith.constant 0 : i32
    %scan3A_3 = arith.constant 0 : i32
    %scan3A_4 = arith.constant 32 : i32
    %scan3A_5 = arith.addi %scan3A_3, %scan3A_4 : i32
    %scan3A_6 = arith.constant 1 : i32
    scf.for %scan3A_8 = %scan3A_3 to %scan3A_5 step %scan3A_6  : i32 {
      %mul3A_9 = arith.constant 128 : i32
      %mul3A_10 = arith.muli %scan3A_8, %mul3A_9 : i32
      %add3A_11 = arith.addi %mul3A_2, %mul3A_10 : i32
      "tpu.region"() ({
        %run_scoped3A = tpu.sem_alloc : memref<!tpu.dma_semaphore, #tpu.memory_space<semaphore_mem>>
        %dma_start3A_16 = tpu.memref_slice %arg3[%add3A_11] : memref<131072xi32, #tpu.memory_space<hbm>> -> memref<128xi32, #tpu.memory_space<hbm>>
        %dma_start3A_17 = tpu.memref_slice %arg3[%add3A_11] : memref<131072xi32, #tpu.memory_space<hbm>> -> memref<128xi32, #tpu.memory_space<hbm>>
        tpu.enqueue_dma source(%dma_start3A_17 : memref<128xi32, #tpu.memory_space<hbm>>) target(%arg5 : memref<128xi32, #tpu.memory_space<vmem>>) target_semaphore(%run_scoped3A : memref<!tpu.dma_semaphore, #tpu.memory_space<semaphore_mem>>)
        %dma_wait3A_18 = tpu.memref_slice %arg3[%add3A_11] : memref<131072xi32, #tpu.memory_space<hbm>> -> memref<128xi32, #tpu.memory_space<hbm>>
        %dma_wait3A_19 = tpu.memref_slice %arg3[%add3A_11] : memref<131072xi32, #tpu.memory_space<hbm>> -> memref<128xi32, #tpu.memory_space<hbm>>
        tpu.wait_dma2 semaphore(%run_scoped3A : memref<!tpu.dma_semaphore, #tpu.memory_space<semaphore_mem>>) src(%dma_wait3A_19 : memref<128xi32, #tpu.memory_space<hbm>>) dst(%arg5 : memref<128xi32, #tpu.memory_space<vmem>>)
        tpu.yield
      }) : () -> ()
      %dma_start3A = arith.constant 0 : i32
      %dma_start3A_12 = arith.constant 0 : i32
      %dma_start3A_13 = tpu.memref_slice %arg2[%dma_start3A, %dma_start3A_12] : memref<8192x128xf32, #tpu.memory_space<hbm>> -> memref<8192x128xf32, #tpu.memory_space<hbm>>
      tpu.enqueue_indirect_dma source(%dma_start3A_13 : memref<8192x128xf32, #tpu.memory_space<hbm>>) target(%arg6 : memref<128x128xf32, #tpu.memory_space<vmem>>) offsets(%arg5 : memref<128xi32, #tpu.memory_space<vmem>>) semaphore(%arg7 : memref<!tpu.dma_semaphore, #tpu.memory_space<semaphore_mem>>)
      %dma_wait3A = arith.constant 0 : i32
      %dma_wait3A_14 = arith.constant 0 : i32
      %dma_wait3A_15 = tpu.memref_slice %arg2[%dma_wait3A, %dma_wait3A_14] : memref<8192x128xf32, #tpu.memory_space<hbm>> -> memref<8192x128xf32, #tpu.memory_space<hbm>>
      tpu.wait_indirect_dma semaphore(%arg7 : memref<!tpu.dma_semaphore, #tpu.memory_space<semaphore_mem>>) src(%dma_wait3A_15 : memref<8192x128xf32, #tpu.memory_space<hbm>>) dst(%arg6 : memref<128x128xf32, #tpu.memory_space<vmem>>)
      "tpu.region"() ({
        %run_scoped3A = tpu.sem_alloc : memref<!tpu.dma_semaphore, #tpu.memory_space<semaphore_mem>>
        %dma_start3A_16 = arith.constant 0 : i32
        %dma_start3A_17 = tpu.memref_slice %arg4[%add3A_11, %dma_start3A_16] : memref<131072x128xf32, #tpu.memory_space<hbm>> -> memref<128x128xf32, #tpu.memory_space<hbm>>
        %dma_start3A_18 = arith.constant 0 : i32
        %dma_start3A_19 = tpu.memref_slice %arg4[%add3A_11, %dma_start3A_18] : memref<131072x128xf32, #tpu.memory_space<hbm>> -> memref<128x128xf32, #tpu.memory_space<hbm>>
        tpu.enqueue_dma source(%arg6 : memref<128x128xf32, #tpu.memory_space<vmem>>) target(%dma_start3A_19 : memref<128x128xf32, #tpu.memory_space<hbm>>) target_semaphore(%run_scoped3A : memref<!tpu.dma_semaphore, #tpu.memory_space<semaphore_mem>>)
        %dma_wait3A_20 = arith.constant 0 : i32
        %dma_wait3A_21 = tpu.memref_slice %arg4[%add3A_11, %dma_wait3A_20] : memref<131072x128xf32, #tpu.memory_space<hbm>> -> memref<128x128xf32, #tpu.memory_space<hbm>>
        %dma_wait3A_22 = arith.constant 0 : i32
        %dma_wait3A_23 = tpu.memref_slice %arg4[%add3A_11, %dma_wait3A_22] : memref<131072x128xf32, #tpu.memory_space<hbm>> -> memref<128x128xf32, #tpu.memory_space<hbm>>
        tpu.wait_dma2 semaphore(%run_scoped3A : memref<!tpu.dma_semaphore, #tpu.memory_space<semaphore_mem>>) src(%arg6 : memref<128x128xf32, #tpu.memory_space<vmem>>) dst(%dma_wait3A_23 : memref<128x128xf32, #tpu.memory_space<hbm>>)
        tpu.yield
      }) : () -> ()
    }
    %scan3A_7 = arith.constant 32 : i32
    return
  }
}

#map = affine_map<(d0, d1) -> (0, 0)>
#map1 = affine_map<(d0, d1) -> (0)>
module attributes {stable_mosaic.version = 14 : i64} {
  func.func @gk(%arg0: i32, %arg1: i32, %arg2: memref<8192x128xf32, #tpu.memory_space<hbm>>, %arg3: memref<131072xi32, #tpu.memory_space<hbm>>, %arg4: memref<131072x128xf32, #tpu.memory_space<hbm>>, %arg5: memref<128xi32, #tpu.memory_space<vmem>>, %arg6: memref<128x128xf32, #tpu.memory_space<vmem>>, %arg7: memref<!tpu.dma_semaphore, #tpu.memory_space<semaphore_mem>>) attributes {dimension_semantics = [#tpu.dimension_semantics<core_parallel>, #tpu.dimension_semantics<subcore_parallel>], iteration_bounds = array<i64: 2, 16>, scalar_prefetch = 0 : i64, scratch_operands = 3 : i64, tpu.core_type = #tpu.core_type<sc_vector_subcore>, window_params = [{transform_indices = #map}, {transform_indices = #map1}, {transform_indices = #map}]} {
    %mul3A = arith.constant 2 : i32
    %mul3A_0 = arith.muli %arg1, %mul3A : i32
    %add3A = arith.addi %mul3A_0, %arg0 : i32
    %mul3A_1 = arith.constant 4096 : i32
    %mul3A_2 = arith.muli %add3A, %mul3A_1 : i32
    %scan3A = arith.constant 0 : i32
    %scan3A_3 = arith.constant 0 : i32
    %scan3A_4 = arith.constant 32 : i32
    %scan3A_5 = arith.addi %scan3A_3, %scan3A_4 : i32
    %scan3A_6 = arith.constant 1 : i32
    scf.for %scan3A_8 = %scan3A_3 to %scan3A_5 step %scan3A_6  : i32 {
      %mul3A_9 = arith.constant 128 : i32
      %mul3A_10 = arith.muli %scan3A_8, %mul3A_9 : i32
      %add3A_11 = arith.addi %mul3A_2, %mul3A_10 : i32
      "tpu.region"() ({
        %run_scoped3A = tpu.sem_alloc : memref<!tpu.dma_semaphore, #tpu.memory_space<semaphore_mem>>
        %dma_start3A_16 = tpu.memref_slice %arg3[%add3A_11] : memref<131072xi32, #tpu.memory_space<hbm>> -> memref<128xi32, #tpu.memory_space<hbm>>
        %dma_start3A_17 = tpu.memref_slice %arg3[%add3A_11] : memref<131072xi32, #tpu.memory_space<hbm>> -> memref<128xi32, #tpu.memory_space<hbm>>
        tpu.enqueue_dma source(%dma_start3A_17 : memref<128xi32, #tpu.memory_space<hbm>>) target(%arg5 : memref<128xi32, #tpu.memory_space<vmem>>) target_semaphore(%run_scoped3A : memref<!tpu.dma_semaphore, #tpu.memory_space<semaphore_mem>>)
        %dma_wait3A_18 = tpu.memref_slice %arg3[%add3A_11] : memref<131072xi32, #tpu.memory_space<hbm>> -> memref<128xi32, #tpu.memory_space<hbm>>
        %dma_wait3A_19 = tpu.memref_slice %arg3[%add3A_11] : memref<131072xi32, #tpu.memory_space<hbm>> -> memref<128xi32, #tpu.memory_space<hbm>>
        tpu.wait_dma2 semaphore(%run_scoped3A : memref<!tpu.dma_semaphore, #tpu.memory_space<semaphore_mem>>) src(%dma_wait3A_19 : memref<128xi32, #tpu.memory_space<hbm>>) dst(%arg5 : memref<128xi32, #tpu.memory_space<vmem>>)
        tpu.yield
      }) : () -> ()
      %dma_start3A = arith.constant 0 : i32
      %dma_start3A_12 = arith.constant 0 : i32
      %dma_start3A_13 = tpu.memref_slice %arg2[%dma_start3A, %dma_start3A_12] : memref<8192x128xf32, #tpu.memory_space<hbm>> -> memref<8192x128xf32, #tpu.memory_space<hbm>>
      tpu.enqueue_indirect_dma source(%dma_start3A_13 : memref<8192x128xf32, #tpu.memory_space<hbm>>) target(%arg6 : memref<128x128xf32, #tpu.memory_space<vmem>>) offsets(%arg5 : memref<128xi32, #tpu.memory_space<vmem>>) semaphore(%arg7 : memref<!tpu.dma_semaphore, #tpu.memory_space<semaphore_mem>>)
      %dma_wait3A = arith.constant 0 : i32
      %dma_wait3A_14 = arith.constant 0 : i32
      %dma_wait3A_15 = tpu.memref_slice %arg2[%dma_wait3A, %dma_wait3A_14] : memref<8192x128xf32, #tpu.memory_space<hbm>> -> memref<8192x128xf32, #tpu.memory_space<hbm>>
      tpu.wait_indirect_dma semaphore(%arg7 : memref<!tpu.dma_semaphore, #tpu.memory_space<semaphore_mem>>) src(%dma_wait3A_15 : memref<8192x128xf32, #tpu.memory_space<hbm>>) dst(%arg6 : memref<128x128xf32, #tpu.memory_space<vmem>>)
      "tpu.region"() ({
        %run_scoped3A = tpu.sem_alloc : memref<!tpu.dma_semaphore, #tpu.memory_space<semaphore_mem>>
        %dma_start3A_16 = arith.constant 0 : i32
        %dma_start3A_17 = tpu.memref_slice %arg4[%add3A_11, %dma_start3A_16] : memref<131072x128xf32, #tpu.memory_space<hbm>> -> memref<128x128xf32, #tpu.memory_space<hbm>>
        %dma_start3A_18 = arith.constant 0 : i32
        %dma_start3A_19 = tpu.memref_slice %arg4[%add3A_11, %dma_start3A_18] : memref<131072x128xf32, #tpu.memory_space<hbm>> -> memref<128x128xf32, #tpu.memory_space<hbm>>
        tpu.enqueue_dma source(%arg6 : memref<128x128xf32, #tpu.memory_space<vmem>>) target(%dma_start3A_19 : memref<128x128xf32, #tpu.memory_space<hbm>>) target_semaphore(%run_scoped3A : memref<!tpu.dma_semaphore, #tpu.memory_space<semaphore_mem>>)
        %dma_wait3A_20 = arith.constant 0 : i32
        %dma_wait3A_21 = tpu.memref_slice %arg4[%add3A_11, %dma_wait3A_20] : memref<131072x128xf32, #tpu.memory_space<hbm>> -> memref<128x128xf32, #tpu.memory_space<hbm>>
        %dma_wait3A_22 = arith.constant 0 : i32
        %dma_wait3A_23 = tpu.memref_slice %arg4[%add3A_11, %dma_wait3A_22] : memref<131072x128xf32, #tpu.memory_space<hbm>> -> memref<128x128xf32, #tpu.memory_space<hbm>>
        tpu.wait_dma2 semaphore(%run_scoped3A : memref<!tpu.dma_semaphore, #tpu.memory_space<semaphore_mem>>) src(%arg6 : memref<128x128xf32, #tpu.memory_space<vmem>>) dst(%dma_wait3A_23 : memref<128x128xf32, #tpu.memory_space<hbm>>)
        tpu.yield
      }) : () -> ()
    }
    %scan3A_7 = arith.constant 32 : i32
    return
  }
}

module attributes {stable_mosaic.version = 14 : i64} {
  func.func @_select_kernel(%arg0: i32, %arg1: i32, %arg2: memref<1x512x3xf32, #tpu.memory_space<vmem>>, %arg3: memref<1x4096x3xf32, #tpu.memory_space<vmem>>, %arg4: memref<1x1x4096xf32, #tpu.memory_space<vmem>>, %arg5: memref<1x512x16xi32, #tpu.memory_space<vmem>>) attributes {dimension_semantics = [#tpu.dimension_semantics<arbitrary>, #tpu.dimension_semantics<arbitrary>], iteration_bounds = array<i64: 2, 8>, scalar_prefetch = 0 : i64, scratch_operands = 0 : i64, tpu.core_type = #tpu.core_type<tc>, window_params = [{transform_indices = @transform_0, window_bounds = array<i64: 1, 512, 3>}, {transform_indices = @transform_1, window_bounds = array<i64: 1, 4096, 3>}, {transform_indices = @transform_2, window_bounds = array<i64: 1, 1, 4096>}, {transform_indices = @transform_3, window_bounds = array<i64: 1, 512, 16>}]} {
    %get3A = arith.constant 0 : index
    %get3A_0 = arith.constant 0 : index
    %get3A_1 = arith.constant 0 : index
    %get3A_2 = vector.load %arg2[%get3A, %get3A_0, %get3A_1] : memref<1x512x3xf32, #tpu.memory_space<vmem>>, vector<1x512x3xf32>
    %get3A_3 = vector.shape_cast %get3A_2 : vector<1x512x3xf32> to vector<512x3xf32>
    %get3A_4 = arith.constant 0 : index
    %get3A_5 = arith.constant 0 : index
    %get3A_6 = arith.constant 0 : index
    %get3A_7 = vector.load %arg3[%get3A_4, %get3A_5, %get3A_6] : memref<1x4096x3xf32, #tpu.memory_space<vmem>>, vector<1x4096x3xf32>
    %get3A_8 = vector.shape_cast %get3A_7 : vector<1x4096x3xf32> to vector<4096x3xf32>
    %dot_general3A = arith.constant dense<0.000000e+00> : vector<512x4096xf32>
    %dot_general3A_9 = tpu.matmul %get3A_3, %get3A_8, %dot_general3A {dimension_numbers = #tpu.dot_dimension_numbers<[1], [1], [0], [0], [0, 0, 1, 0], [], []>, transpose_lhs_hint = false} : vector<512x3xf32>, vector<4096x3xf32>, vector<512x4096xf32> -> vector<512x4096xf32>
    %mul3A = arith.mulf %get3A_3, %get3A_3 : vector<512x3xf32>
    %reduce_sum3A = arith.constant dense<0.000000e+00> : vector<512xf32>
    %reduce_sum3A_10 = vector.multi_reduction <add>, %mul3A, %reduce_sum3A [1] : vector<512x3xf32> to vector<512xf32>
    %broadcast_in_dim3A = vector.shape_cast %reduce_sum3A_10 : vector<512xf32> to vector<512x1xf32>
    %mul3A_11 = arith.constant 2.000000e+00 : f32
    %mul3A_12 = vector.broadcast %mul3A_11 : f32 to vector<512x4096xf32>
    %mul3A_13 = arith.mulf %mul3A_12, %dot_general3A_9 : vector<512x4096xf32>
    %sub3A = vector.broadcast %broadcast_in_dim3A : vector<512x1xf32> to vector<512x4096xf32>
    %sub3A_14 = arith.subf %mul3A_13, %sub3A : vector<512x4096xf32>
    %get3A_15 = arith.constant 0 : index
    %get3A_16 = arith.constant 0 : index
    %get3A_17 = arith.constant 0 : index
    %get3A_18 = vector.load %arg4[%get3A_15, %get3A_16, %get3A_17] : memref<1x1x4096xf32, #tpu.memory_space<vmem>>, vector<1x1x4096xf32>
    %get3A_19 = vector.shape_cast %get3A_18 : vector<1x1x4096xf32> to vector<1x4096xf32>
    %sub3A_20 = vector.broadcast %get3A_19 : vector<1x4096xf32> to vector<512x4096xf32>
    %sub3A_21 = arith.subf %sub3A_14, %sub3A_20 : vector<512x4096xf32>
    %iota3A = tpu.iota {dimensions = array<i32: 1>} : vector<512x4096xi32>
    %iota3A_22 = tpu.iota {dimensions = array<i32: 1>} : vector<512x16xi32>
    %broadcast_in_dim3A_23 = arith.constant 0 : i32
    %broadcast_in_dim3A_24 = vector.broadcast %broadcast_in_dim3A_23 : i32 to vector<512x16xi32>
    %scan3A = arith.constant 0xFF800000 : f32
    %scan3A_25 = arith.constant 0 : i32
    %scan3A_26 = arith.constant 16 : i32
    %scan3A_27 = arith.addi %scan3A_25, %scan3A_26 : i32
    %scan3A_28 = arith.constant 1 : i32
    %scan3A_29:2 = scf.for %scan3A_39 = %scan3A_25 to %scan3A_27 step %scan3A_28 iter_args(%scan3A_40 = %sub3A_21, %scan3A_41 = %broadcast_in_dim3A_24) -> (vector<512x4096xf32>, vector<512x16xi32>)  : i32 {
      %argmax3A = tpu.reduce_index %scan3A_40 {axis = 1 : i32, kind = #tpu.reduction_kind<arg_max>} : vector<512x4096xf32> -> vector<512xi32>
      %broadcast_in_dim3A_42 = vector.shape_cast %argmax3A : vector<512xi32> to vector<512x1xi32>
      %eq3A = vector.broadcast %scan3A_39 : i32 to vector<512x16xi32>
      %eq3A_43 = arith.cmpi eq, %iota3A_22, %eq3A : vector<512x16xi32>
      %broadcast_in_dim3A_44 = vector.shape_cast %broadcast_in_dim3A_42 : vector<512x1xi32> to vector<512x1xi32>
      %broadcast_in_dim3A_45 = vector.broadcast %broadcast_in_dim3A_44 : vector<512x1xi32> to vector<512x16xi32>
      %select_n3A = arith.select %eq3A_43, %broadcast_in_dim3A_45, %scan3A_41 : vector<512x16xi1>, vector<512x16xi32>
      %eq3A_46 = vector.broadcast %broadcast_in_dim3A_42 : vector<512x1xi32> to vector<512x4096xi32>
      %eq3A_47 = arith.cmpi eq, %iota3A, %eq3A_46 : vector<512x4096xi32>
      %broadcast_in_dim3A_48 = vector.broadcast %scan3A : f32 to vector<512x4096xf32>
      %select_n3A_49 = arith.select %eq3A_47, %broadcast_in_dim3A_48, %scan3A_40 : vector<512x4096xi1>, vector<512x4096xf32>
      scf.yield %select_n3A_49, %select_n3A : vector<512x4096xf32>, vector<512x16xi32>
    }
    %scan3A_30 = arith.constant 16 : i32
    %mul3A_31 = arith.constant 4096 : i32
    %mul3A_32 = arith.muli %arg0, %mul3A_31 : i32
    %add3A = vector.broadcast %mul3A_32 : i32 to vector<512x16xi32>
    %add3A_33 = arith.addi %scan3A_29#1, %add3A : vector<512x16xi32>
    %swap3A = arith.constant 0 : index
    %swap3A_34 = arith.constant 0 : index
    %swap3A_35 = arith.constant 0 : index
    %swap3A_36 = vector.load %arg5[%swap3A, %swap3A_34, %swap3A_35] : memref<1x512x16xi32, #tpu.memory_space<vmem>>, vector<1x512x16xi32>
    %swap3A_37 = vector.shape_cast %swap3A_36 : vector<1x512x16xi32> to vector<512x16xi32>
    %swap3A_38 = vector.shape_cast %add3A_33 : vector<512x16xi32> to vector<1x512x16xi32>
    tpu.vector_store %arg5[%swap3A, %swap3A_34, %swap3A_35], %swap3A_38 {strides = array<i32>} : memref<1x512x16xi32, #tpu.memory_space<vmem>>, vector<1x512x16xi32>,
    return
  }
  func.func @transform_0(%arg0: i32, %arg1: i32) -> (i32, i32, i32) {
    %c0_i32 = arith.constant 0 : i32
    %c0_i32_0 = arith.constant 0 : i32
    return %arg0, %arg1, %c0_i32 : i32, i32, i32
  }
  func.func @transform_1(%arg0: i32, %arg1: i32) -> (i32, i32, i32) {
    %c0_i32 = arith.constant 0 : i32
    %c0_i32_0 = arith.constant 0 : i32
    %c0_i32_1 = arith.constant 0 : i32
    return %arg0, %c0_i32, %c0_i32_0 : i32, i32, i32
  }
  func.func @transform_2(%arg0: i32, %arg1: i32) -> (i32, i32, i32) {
    %c0_i32 = arith.constant 0 : i32
    %c0_i32_0 = arith.constant 0 : i32
    %c0_i32_1 = arith.constant 0 : i32
    return %arg0, %c0_i32, %c0_i32_0 : i32, i32, i32
  }
  func.func @transform_3(%arg0: i32, %arg1: i32) -> (i32, i32, i32) {
    %c0_i32 = arith.constant 0 : i32
    %c0_i32_0 = arith.constant 0 : i32
    return %arg0, %arg1, %c0_i32 : i32, i32, i32
  }
}

module attributes {stable_mosaic.version = 14 : i64} {
  func.func @_sq_row_kernel(%arg0: i32, %arg1: memref<1x4096x3xf32, #tpu.memory_space<vmem>>, %arg2: memref<1x1x4096xf32, #tpu.memory_space<vmem>>) attributes {dimension_semantics = [#tpu.dimension_semantics<arbitrary>], iteration_bounds = array<i64: 2>, scalar_prefetch = 0 : i64, scratch_operands = 0 : i64, tpu.core_type = #tpu.core_type<tc>, window_params = [{transform_indices = @transform_0, window_bounds = array<i64: 1, 4096, 3>}, {transform_indices = @transform_1, window_bounds = array<i64: 1, 1, 4096>}]} {
    %get3A = arith.constant 0 : index
    %get3A_0 = arith.constant 0 : index
    %get3A_1 = arith.constant 0 : index
    %get3A_2 = vector.load %arg1[%get3A, %get3A_0, %get3A_1] : memref<1x4096x3xf32, #tpu.memory_space<vmem>>, vector<1x4096x3xf32>
    %get3A_3 = vector.shape_cast %get3A_2 : vector<1x4096x3xf32> to vector<4096x3xf32>
    %broadcast_in_dim3A = arith.constant 1.000000e+00 : f32
    %broadcast_in_dim3A_4 = vector.broadcast %broadcast_in_dim3A : f32 to vector<1x3xf32>
    %mul3A = arith.mulf %get3A_3, %get3A_3 : vector<4096x3xf32>
    %dot_general3A = arith.constant dense<0.000000e+00> : vector<1x4096xf32>
    %dot_general3A_5 = tpu.matmul %broadcast_in_dim3A_4, %mul3A, %dot_general3A {dimension_numbers = #tpu.dot_dimension_numbers<[1], [1], [0], [0], [0, 0, 1, 0], [], []>, precision = #tpu.contract_precision<fp32>, transpose_lhs_hint = false} : vector<1x3xf32>, vector<4096x3xf32>, vector<1x4096xf32> -> vector<1x4096xf32>
    %swap3A = arith.constant 0 : index
    %swap3A_6 = arith.constant 0 : index
    %swap3A_7 = arith.constant 0 : index
    %swap3A_8 = vector.load %arg2[%swap3A, %swap3A_6, %swap3A_7] : memref<1x1x4096xf32, #tpu.memory_space<vmem>>, vector<1x1x4096xf32>
    %swap3A_9 = vector.shape_cast %swap3A_8 : vector<1x1x4096xf32> to vector<1x4096xf32>
    %swap3A_10 = vector.shape_cast %dot_general3A_5 : vector<1x4096xf32> to vector<1x1x4096xf32>
    tpu.vector_store %arg2[%swap3A, %swap3A_6, %swap3A_7], %swap3A_10 {strides = array<i32>} : memref<1x1x4096xf32, #tpu.memory_space<vmem>>, vector<1x1x4096xf32>,
    return
  }
  func.func @transform_0(%arg0: i32) -> (i32, i32, i32) {
    %c0_i32 = arith.constant 0 : i32
    %c0_i32_0 = arith.constant 0 : i32
    %c0_i32_1 = arith.constant 0 : i32
    return %arg0, %c0_i32, %c0_i32_0 : i32, i32, i32
  }
  func.func @transform_1(%arg0: i32) -> (i32, i32, i32) {
    %c0_i32 = arith.constant 0 : i32
    %c0_i32_0 = arith.constant 0 : i32
    %c0_i32_1 = arith.constant 0 : i32
    return %arg0, %c0_i32, %c0_i32_0 : i32, i32, i32
  }
}

module attributes {stable_mosaic.version = 14 : i64} {
  func.func @_mlp_kernel(%arg0: i32, %arg1: i32, %arg2: memref<1x256x3xf32, #tpu.memory_space<vmem>>, %arg3: memref<1x4096x128xf32, #tpu.memory_space<vmem>>, %arg4: memref<6x64xf32, #tpu.memory_space<vmem>>, %arg5: memref<1x64xf32, #tpu.memory_space<vmem>>, %arg6: memref<1x256x64xf32, #tpu.memory_space<vmem>>) attributes {dimension_semantics = [#tpu.dimension_semantics<arbitrary>, #tpu.dimension_semantics<arbitrary>], iteration_bounds = array<i64: 2, 16>, scalar_prefetch = 0 : i64, scratch_operands = 0 : i64, tpu.core_type = #tpu.core_type<tc>, window_params = [{transform_indices = @transform_0, window_bounds = array<i64: 1, 256, 3>}, {transform_indices = @transform_1, window_bounds = array<i64: 1, 4096, 128>}, {pipeline_mode = #tpu.pipeline_mode<synchronous>, transform_indices = @transform_2, window_bounds = array<i64: 6, 64>}, {pipeline_mode = #tpu.pipeline_mode<synchronous>, transform_indices = @transform_3, window_bounds = array<i64: 1, 64>}, {transform_indices = @transform_4, window_bounds = array<i64: 1, 256, 64>}]} {
    %get3A = arith.constant 0 : index
    %get3A_0 = arith.constant 0 : index
    %get3A_1 = arith.constant 0 : index
    %get3A_2 = vector.load %arg2[%get3A, %get3A_0, %get3A_1] : memref<1x256x3xf32, #tpu.memory_space<vmem>>, vector<1x256x3xf32>
    %get3A_3 = vector.shape_cast %get3A_2 : vector<1x256x3xf32> to vector<256x3xf32>
    %get3A_4 = arith.constant 0 : index
    %get3A_5 = arith.constant 0 : index
    %get3A_6 = arith.constant 0 : index
    %get3A_7 = vector.load %arg3[%get3A_4, %get3A_5, %get3A_6] : memref<1x4096x128xf32, #tpu.memory_space<vmem>>, vector<1x4096x128xf32>
    %get3A_8 = vector.shape_cast %get3A_7 : vector<1x4096x128xf32> to vector<4096x128xf32>
    %get3A_9 = arith.constant 0 : index
    %get3A_10 = arith.constant 0 : index
    %get3A_11 = vector.load %arg4[%get3A_9, %get3A_10] : memref<6x64xf32, #tpu.memory_space<vmem>>, vector<6x64xf32>
    %get3A_12 = arith.constant 0 : index
    %get3A_13 = arith.constant 0 : index
    %get3A_14 = vector.load %arg5[%get3A_12, %get3A_13] : memref<1x64xf32, #tpu.memory_space<vmem>>, vector<1x64xf32>
    %get3A_15 = vector.shape_cast %get3A_14 : vector<1x64xf32> to vector<64xf32>
    %slice3A = vector.extract_strided_slice %get3A_8 {offsets = [0, 0], sizes = [4096, 3], strides = [1, 1]} : vector<4096x128xf32> to vector<4096x3xf32>
    %slice3A_16 = vector.extract_strided_slice %get3A_11 {offsets = [0, 0], sizes = [3, 64], strides = [1, 1]} : vector<6x64xf32> to vector<3x64xf32>
    %dot_general3A = arith.constant dense<0.000000e+00> : vector<256x64xf32>
    %dot_general3A_17 = tpu.matmul %get3A_3, %slice3A_16, %dot_general3A {dimension_numbers = #tpu.dot_dimension_numbers<[1], [0], [0], [1], [0, 0, 1, 1], [], []>, transpose_lhs_hint = false} : vector<256x3xf32>, vector<3x64xf32>, vector<256x64xf32> -> vector<256x64xf32>
    %broadcast_in_dim3A = vector.shape_cast %get3A_15 : vector<64xf32> to vector<1x64xf32>
    %add3A = vector.broadcast %broadcast_in_dim3A : vector<1x64xf32> to vector<256x64xf32>
    %add3A_18 = arith.addf %dot_general3A_17, %add3A : vector<256x64xf32>
    %reshape3A = vector.shape_cast %slice3A : vector<4096x3xf32> to vector<256x16x3xf32>
    %broadcast_in_dim3A_19 = vector.shape_cast %get3A_3 : vector<256x3xf32> to vector<256x1x3xf32>
    %sub3A = vector.broadcast %broadcast_in_dim3A_19 : vector<256x1x3xf32> to vector<256x16x3xf32>
    %sub3A_20 = arith.subf %reshape3A, %sub3A : vector<256x16x3xf32>
    %reshape3A_21 = vector.shape_cast %sub3A_20 : vector<256x16x3xf32> to vector<4096x3xf32>
    %slice3A_22 = vector.extract_strided_slice %get3A_11 {offsets = [3, 0], sizes = [3, 64], strides = [1, 1]} : vector<6x64xf32> to vector<3x64xf32>
    %dot_general3A_23 = arith.constant dense<0.000000e+00> : vector<4096x64xf32>
    %dot_general3A_24 = tpu.matmul %reshape3A_21, %slice3A_22, %dot_general3A_23 {dimension_numbers = #tpu.dot_dimension_numbers<[1], [0], [0], [1], [0, 0, 1, 1], [], []>, transpose_lhs_hint = false} : vector<4096x3xf32>, vector<3x64xf32>, vector<4096x64xf32> -> vector<4096x64xf32>
    %reshape3A_25 = vector.shape_cast %dot_general3A_24 : vector<4096x64xf32> to vector<256x16x64xf32>
    %reduce_max3A = arith.constant dense<0xFF800000> : vector<256x64xf32>
    %reduce_max3A_26 = vector.multi_reduction <maximumf>, %reshape3A_25, %reduce_max3A [1] : vector<256x16x64xf32> to vector<256x64xf32>
    %add3A_27 = arith.addf %add3A_18, %reduce_max3A_26 : vector<256x64xf32>
    %ge3A = arith.constant 0.000000e+00 : f32
    %ge3A_28 = vector.broadcast %ge3A : f32 to vector<256x64xf32>
    %ge3A_29 = arith.cmpf oge, %add3A_27, %ge3A_28 : vector<256x64xf32>
    %mul3A = arith.constant 0.00999999977 : f32
    %mul3A_30 = vector.broadcast %mul3A : f32 to vector<256x64xf32>
    %mul3A_31 = arith.mulf %mul3A_30, %add3A_27 : vector<256x64xf32>
    %select_n3A = arith.select %ge3A_29, %add3A_27, %mul3A_31 : vector<256x64xi1>, vector<256x64xf32>
    %swap3A = arith.constant 0 : index
    %swap3A_32 = arith.constant 0 : index
    %swap3A_33 = arith.constant 0 : index
    %swap3A_34 = vector.load %arg6[%swap3A, %swap3A_32, %swap3A_33] : memref<1x256x64xf32, #tpu.memory_space<vmem>>, vector<1x256x64xf32>
    %swap3A_35 = vector.shape_cast %swap3A_34 : vector<1x256x64xf32> to vector<256x64xf32>
    %swap3A_36 = vector.shape_cast %select_n3A : vector<256x64xf32> to vector<1x256x64xf32>
    tpu.vector_store %arg6[%swap3A, %swap3A_32, %swap3A_33], %swap3A_36 {strides = array<i32>} : memref<1x256x64xf32, #tpu.memory_space<vmem>>, vector<1x256x64xf32>,
    return
  }
  func.func @transform_0(%arg0: i32, %arg1: i32) -> (i32, i32, i32) {
    %c0_i32 = arith.constant 0 : i32
    %c0_i32_0 = arith.constant 0 : i32
    return %arg0, %arg1, %c0_i32 : i32, i32, i32
  }
  func.func @transform_1(%arg0: i32, %arg1: i32) -> (i32, i32, i32) {
    %c0_i32 = arith.constant 0 : i32
    %c0_i32_0 = arith.constant 0 : i32
    return %arg0, %arg1, %c0_i32 : i32, i32, i32
  }
  func.func @transform_2(%arg0: i32, %arg1: i32) -> (i32, i32) {
    %c0_i32 = arith.constant 0 : i32
    %c0_i32_0 = arith.constant 0 : i32
    %c0_i32_1 = arith.constant 0 : i32
    return %c0_i32, %c0_i32_0 : i32, i32
  }
  func.func @transform_3(%arg0: i32, %arg1: i32) -> (i32, i32) {
    %c0_i32 = arith.constant 0 : i32
    %c0_i32_0 = arith.constant 0 : i32
    %c0_i32_1 = arith.constant 0 : i32
    return %c0_i32, %c0_i32_0 : i32, i32
  }
  func.func @transform_4(%arg0: i32, %arg1: i32) -> (i32, i32, i32) {
    %c0_i32 = arith.constant 0 : i32
    %c0_i32_0 = arith.constant 0 : i32
    return %arg0, %arg1, %c0_i32 : i32, i32, i32
  }
}

module attributes {stable_mosaic.version = 14 : i64} {
  func.func @_sq_row_kernel(%arg0: i32, %arg1: memref<1x4096x64xf32, #tpu.memory_space<vmem>>, %arg2: memref<1x1x4096xf32, #tpu.memory_space<vmem>>) attributes {dimension_semantics = [#tpu.dimension_semantics<arbitrary>], iteration_bounds = array<i64: 2>, scalar_prefetch = 0 : i64, scratch_operands = 0 : i64, tpu.core_type = #tpu.core_type<tc>, window_params = [{transform_indices = @transform_0, window_bounds = array<i64: 1, 4096, 64>}, {transform_indices = @transform_1, window_bounds = array<i64: 1, 1, 4096>}]} {
    %get3A = arith.constant 0 : index
    %get3A_0 = arith.constant 0 : index
    %get3A_1 = arith.constant 0 : index
    %get3A_2 = vector.load %arg1[%get3A, %get3A_0, %get3A_1] : memref<1x4096x64xf32, #tpu.memory_space<vmem>>, vector<1x4096x64xf32>
    %get3A_3 = vector.shape_cast %get3A_2 : vector<1x4096x64xf32> to vector<4096x64xf32>
    %broadcast_in_dim3A = arith.constant 1.000000e+00 : f32
    %broadcast_in_dim3A_4 = vector.broadcast %broadcast_in_dim3A : f32 to vector<1x64xf32>
    %mul3A = arith.mulf %get3A_3, %get3A_3 : vector<4096x64xf32>
    %dot_general3A = arith.constant dense<0.000000e+00> : vector<1x4096xf32>
    %dot_general3A_5 = tpu.matmul %broadcast_in_dim3A_4, %mul3A, %dot_general3A {dimension_numbers = #tpu.dot_dimension_numbers<[1], [1], [0], [0], [0, 0, 1, 0], [], []>, precision = #tpu.contract_precision<fp32>, transpose_lhs_hint = false} : vector<1x64xf32>, vector<4096x64xf32>, vector<1x4096xf32> -> vector<1x4096xf32>
    %swap3A = arith.constant 0 : index
    %swap3A_6 = arith.constant 0 : index
    %swap3A_7 = arith.constant 0 : index
    %swap3A_8 = vector.load %arg2[%swap3A, %swap3A_6, %swap3A_7] : memref<1x1x4096xf32, #tpu.memory_space<vmem>>, vector<1x1x4096xf32>
    %swap3A_9 = vector.shape_cast %swap3A_8 : vector<1x1x4096xf32> to vector<1x4096xf32>
    %swap3A_10 = vector.shape_cast %dot_general3A_5 : vector<1x4096xf32> to vector<1x1x4096xf32>
    tpu.vector_store %arg2[%swap3A, %swap3A_6, %swap3A_7], %swap3A_10 {strides = array<i32>} : memref<1x1x4096xf32, #tpu.memory_space<vmem>>, vector<1x1x4096xf32>,
    return
  }
  func.func @transform_0(%arg0: i32) -> (i32, i32, i32) {
    %c0_i32 = arith.constant 0 : i32
    %c0_i32_0 = arith.constant 0 : i32
    %c0_i32_1 = arith.constant 0 : i32
    return %arg0, %c0_i32, %c0_i32_0 : i32, i32, i32
  }
  func.func @transform_1(%arg0: i32) -> (i32, i32, i32) {
    %c0_i32 = arith.constant 0 : i32
    %c0_i32_0 = arith.constant 0 : i32
    %c0_i32_1 = arith.constant 0 : i32
    return %arg0, %c0_i32, %c0_i32_0 : i32, i32, i32
  }
}

module attributes {stable_mosaic.version = 14 : i64} {
  func.func @_select_kernel(%arg0: i32, %arg1: i32, %arg2: memref<1x512x64xf32, #tpu.memory_space<vmem>>, %arg3: memref<1x4096x64xf32, #tpu.memory_space<vmem>>, %arg4: memref<1x1x4096xf32, #tpu.memory_space<vmem>>, %arg5: memref<1x512x16xi32, #tpu.memory_space<vmem>>) attributes {dimension_semantics = [#tpu.dimension_semantics<arbitrary>, #tpu.dimension_semantics<arbitrary>], iteration_bounds = array<i64: 2, 8>, scalar_prefetch = 0 : i64, scratch_operands = 0 : i64, tpu.core_type = #tpu.core_type<tc>, window_params = [{transform_indices = @transform_0, window_bounds = array<i64: 1, 512, 64>}, {transform_indices = @transform_1, window_bounds = array<i64: 1, 4096, 64>}, {transform_indices = @transform_2, window_bounds = array<i64: 1, 1, 4096>}, {transform_indices = @transform_3, window_bounds = array<i64: 1, 512, 16>}]} {
    %get3A = arith.constant 0 : index
    %get3A_0 = arith.constant 0 : index
    %get3A_1 = arith.constant 0 : index
    %get3A_2 = vector.load %arg2[%get3A, %get3A_0, %get3A_1] : memref<1x512x64xf32, #tpu.memory_space<vmem>>, vector<1x512x64xf32>
    %get3A_3 = vector.shape_cast %get3A_2 : vector<1x512x64xf32> to vector<512x64xf32>
    %get3A_4 = arith.constant 0 : index
    %get3A_5 = arith.constant 0 : index
    %get3A_6 = arith.constant 0 : index
    %get3A_7 = vector.load %arg3[%get3A_4, %get3A_5, %get3A_6] : memref<1x4096x64xf32, #tpu.memory_space<vmem>>, vector<1x4096x64xf32>
    %get3A_8 = vector.shape_cast %get3A_7 : vector<1x4096x64xf32> to vector<4096x64xf32>
    %dot_general3A = arith.constant dense<0.000000e+00> : vector<512x4096xf32>
    %dot_general3A_9 = tpu.matmul %get3A_3, %get3A_8, %dot_general3A {dimension_numbers = #tpu.dot_dimension_numbers<[1], [1], [0], [0], [0, 0, 1, 0], [], []>, transpose_lhs_hint = false} : vector<512x64xf32>, vector<4096x64xf32>, vector<512x4096xf32> -> vector<512x4096xf32>
    %mul3A = arith.mulf %get3A_3, %get3A_3 : vector<512x64xf32>
    %reduce_sum3A = arith.constant dense<0.000000e+00> : vector<512xf32>
    %reduce_sum3A_10 = vector.multi_reduction <add>, %mul3A, %reduce_sum3A [1] : vector<512x64xf32> to vector<512xf32>
    %broadcast_in_dim3A = vector.shape_cast %reduce_sum3A_10 : vector<512xf32> to vector<512x1xf32>
    %mul3A_11 = arith.constant 2.000000e+00 : f32
    %mul3A_12 = vector.broadcast %mul3A_11 : f32 to vector<512x4096xf32>
    %mul3A_13 = arith.mulf %mul3A_12, %dot_general3A_9 : vector<512x4096xf32>
    %sub3A = vector.broadcast %broadcast_in_dim3A : vector<512x1xf32> to vector<512x4096xf32>
    %sub3A_14 = arith.subf %mul3A_13, %sub3A : vector<512x4096xf32>
    %get3A_15 = arith.constant 0 : index
    %get3A_16 = arith.constant 0 : index
    %get3A_17 = arith.constant 0 : index
    %get3A_18 = vector.load %arg4[%get3A_15, %get3A_16, %get3A_17] : memref<1x1x4096xf32, #tpu.memory_space<vmem>>, vector<1x1x4096xf32>
    %get3A_19 = vector.shape_cast %get3A_18 : vector<1x1x4096xf32> to vector<1x4096xf32>
    %sub3A_20 = vector.broadcast %get3A_19 : vector<1x4096xf32> to vector<512x4096xf32>
    %sub3A_21 = arith.subf %sub3A_14, %sub3A_20 : vector<512x4096xf32>
    %iota3A = tpu.iota {dimensions = array<i32: 1>} : vector<512x4096xi32>
    %iota3A_22 = tpu.iota {dimensions = array<i32: 1>} : vector<512x16xi32>
    %broadcast_in_dim3A_23 = arith.constant 0 : i32
    %broadcast_in_dim3A_24 = vector.broadcast %broadcast_in_dim3A_23 : i32 to vector<512x16xi32>
    %scan3A = arith.constant 0xFF800000 : f32
    %scan3A_25 = arith.constant 0 : i32
    %scan3A_26 = arith.constant 16 : i32
    %scan3A_27 = arith.addi %scan3A_25, %scan3A_26 : i32
    %scan3A_28 = arith.constant 1 : i32
    %scan3A_29:2 = scf.for %scan3A_39 = %scan3A_25 to %scan3A_27 step %scan3A_28 iter_args(%scan3A_40 = %sub3A_21, %scan3A_41 = %broadcast_in_dim3A_24) -> (vector<512x4096xf32>, vector<512x16xi32>)  : i32 {
      %argmax3A = tpu.reduce_index %scan3A_40 {axis = 1 : i32, kind = #tpu.reduction_kind<arg_max>} : vector<512x4096xf32> -> vector<512xi32>
      %broadcast_in_dim3A_42 = vector.shape_cast %argmax3A : vector<512xi32> to vector<512x1xi32>
      %eq3A = vector.broadcast %scan3A_39 : i32 to vector<512x16xi32>
      %eq3A_43 = arith.cmpi eq, %iota3A_22, %eq3A : vector<512x16xi32>
      %broadcast_in_dim3A_44 = vector.shape_cast %broadcast_in_dim3A_42 : vector<512x1xi32> to vector<512x1xi32>
      %broadcast_in_dim3A_45 = vector.broadcast %broadcast_in_dim3A_44 : vector<512x1xi32> to vector<512x16xi32>
      %select_n3A = arith.select %eq3A_43, %broadcast_in_dim3A_45, %scan3A_41 : vector<512x16xi1>, vector<512x16xi32>
      %eq3A_46 = vector.broadcast %broadcast_in_dim3A_42 : vector<512x1xi32> to vector<512x4096xi32>
      %eq3A_47 = arith.cmpi eq, %iota3A, %eq3A_46 : vector<512x4096xi32>
      %broadcast_in_dim3A_48 = vector.broadcast %scan3A : f32 to vector<512x4096xf32>
      %select_n3A_49 = arith.select %eq3A_47, %broadcast_in_dim3A_48, %scan3A_40 : vector<512x4096xi1>, vector<512x4096xf32>
      scf.yield %select_n3A_49, %select_n3A : vector<512x4096xf32>, vector<512x16xi32>
    }
    %scan3A_30 = arith.constant 16 : i32
    %mul3A_31 = arith.constant 4096 : i32
    %mul3A_32 = arith.muli %arg0, %mul3A_31 : i32
    %add3A = vector.broadcast %mul3A_32 : i32 to vector<512x16xi32>
    %add3A_33 = arith.addi %scan3A_29#1, %add3A : vector<512x16xi32>
    %swap3A = arith.constant 0 : index
    %swap3A_34 = arith.constant 0 : index
    %swap3A_35 = arith.constant 0 : index
    %swap3A_36 = vector.load %arg5[%swap3A, %swap3A_34, %swap3A_35] : memref<1x512x16xi32, #tpu.memory_space<vmem>>, vector<1x512x16xi32>
    %swap3A_37 = vector.shape_cast %swap3A_36 : vector<1x512x16xi32> to vector<512x16xi32>
    %swap3A_38 = vector.shape_cast %add3A_33 : vector<512x16xi32> to vector<1x512x16xi32>
    tpu.vector_store %arg5[%swap3A, %swap3A_34, %swap3A_35], %swap3A_38 {strides = array<i32>} : memref<1x512x16xi32, #tpu.memory_space<vmem>>, vector<1x512x16xi32>,
    return
  }
  func.func @transform_0(%arg0: i32, %arg1: i32) -> (i32, i32, i32) {
    %c0_i32 = arith.constant 0 : i32
    %c0_i32_0 = arith.constant 0 : i32
    return %arg0, %arg1, %c0_i32 : i32, i32, i32
  }
  func.func @transform_1(%arg0: i32, %arg1: i32) -> (i32, i32, i32) {
    %c0_i32 = arith.constant 0 : i32
    %c0_i32_0 = arith.constant 0 : i32
    %c0_i32_1 = arith.constant 0 : i32
    return %arg0, %c0_i32, %c0_i32_0 : i32, i32, i32
  }
  func.func @transform_2(%arg0: i32, %arg1: i32) -> (i32, i32, i32) {
    %c0_i32 = arith.constant 0 : i32
    %c0_i32_0 = arith.constant 0 : i32
    %c0_i32_1 = arith.constant 0 : i32
    return %arg0, %c0_i32, %c0_i32_0 : i32, i32, i32
  }
  func.func @transform_3(%arg0: i32, %arg1: i32) -> (i32, i32, i32) {
    %c0_i32 = arith.constant 0 : i32
    %c0_i32_0 = arith.constant 0 : i32
    return %arg0, %arg1, %c0_i32 : i32, i32, i32
  }
}

module attributes {stable_mosaic.version = 14 : i64} {
  func.func @_mlp_kernel(%arg0: i32, %arg1: i32, %arg2: memref<1x256x64xf32, #tpu.memory_space<vmem>>, %arg3: memref<1x4096x128xf32, #tpu.memory_space<vmem>>, %arg4: memref<128x64xf32, #tpu.memory_space<vmem>>, %arg5: memref<1x64xf32, #tpu.memory_space<vmem>>, %arg6: memref<1x256x64xf32, #tpu.memory_space<vmem>>) attributes {dimension_semantics = [#tpu.dimension_semantics<arbitrary>, #tpu.dimension_semantics<arbitrary>], iteration_bounds = array<i64: 2, 16>, scalar_prefetch = 0 : i64, scratch_operands = 0 : i64, tpu.core_type = #tpu.core_type<tc>, window_params = [{transform_indices = @transform_0, window_bounds = array<i64: 1, 256, 64>}, {transform_indices = @transform_1, window_bounds = array<i64: 1, 4096, 128>}, {pipeline_mode = #tpu.pipeline_mode<synchronous>, transform_indices = @transform_2, window_bounds = array<i64: 128, 64>}, {pipeline_mode = #tpu.pipeline_mode<synchronous>, transform_indices = @transform_3, window_bounds = array<i64: 1, 64>}, {transform_indices = @transform_4, window_bounds = array<i64: 1, 256, 64>}]} {
    %get3A = arith.constant 0 : index
    %get3A_0 = arith.constant 0 : index
    %get3A_1 = arith.constant 0 : index
    %get3A_2 = vector.load %arg2[%get3A, %get3A_0, %get3A_1] : memref<1x256x64xf32, #tpu.memory_space<vmem>>, vector<1x256x64xf32>
    %get3A_3 = vector.shape_cast %get3A_2 : vector<1x256x64xf32> to vector<256x64xf32>
    %get3A_4 = arith.constant 0 : index
    %get3A_5 = arith.constant 0 : index
    %get3A_6 = arith.constant 0 : index
    %get3A_7 = vector.load %arg3[%get3A_4, %get3A_5, %get3A_6] : memref<1x4096x128xf32, #tpu.memory_space<vmem>>, vector<1x4096x128xf32>
    %get3A_8 = vector.shape_cast %get3A_7 : vector<1x4096x128xf32> to vector<4096x128xf32>
    %get3A_9 = arith.constant 0 : index
    %get3A_10 = arith.constant 0 : index
    %get3A_11 = vector.load %arg4[%get3A_9, %get3A_10] : memref<128x64xf32, #tpu.memory_space<vmem>>, vector<128x64xf32>
    %get3A_12 = arith.constant 0 : index
    %get3A_13 = arith.constant 0 : index
    %get3A_14 = vector.load %arg5[%get3A_12, %get3A_13] : memref<1x64xf32, #tpu.memory_space<vmem>>, vector<1x64xf32>
    %get3A_15 = vector.shape_cast %get3A_14 : vector<1x64xf32> to vector<64xf32>
    %slice3A = vector.extract_strided_slice %get3A_8 {offsets = [0, 0], sizes = [4096, 64], strides = [1, 1]} : vector<4096x128xf32> to vector<4096x64xf32>
    %slice3A_16 = vector.extract_strided_slice %get3A_11 {offsets = [0, 0], sizes = [64, 64], strides = [1, 1]} : vector<128x64xf32> to vector<64x64xf32>
    %dot_general3A = arith.constant dense<0.000000e+00> : vector<256x64xf32>
    %dot_general3A_17 = tpu.matmul %get3A_3, %slice3A_16, %dot_general3A {dimension_numbers = #tpu.dot_dimension_numbers<[1], [0], [0], [1], [0, 0, 1, 1], [], []>, transpose_lhs_hint = false} : vector<256x64xf32>, vector<64x64xf32>, vector<256x64xf32> -> vector<256x64xf32>
    %broadcast_in_dim3A = vector.shape_cast %get3A_15 : vector<64xf32> to vector<1x64xf32>
    %add3A = vector.broadcast %broadcast_in_dim3A : vector<1x64xf32> to vector<256x64xf32>
    %add3A_18 = arith.addf %dot_general3A_17, %add3A : vector<256x64xf32>
    %reshape3A = vector.shape_cast %slice3A : vector<4096x64xf32> to vector<256x16x64xf32>
    %broadcast_in_dim3A_19 = vector.shape_cast %get3A_3 : vector<256x64xf32> to vector<256x1x64xf32>
    %sub3A = vector.broadcast %broadcast_in_dim3A_19 : vector<256x1x64xf32> to vector<256x16x64xf32>
    %sub3A_20 = arith.subf %reshape3A, %sub3A : vector<256x16x64xf32>
    %reshape3A_21 = vector.shape_cast %sub3A_20 : vector<256x16x64xf32> to vector<4096x64xf32>
    %slice3A_22 = vector.extract_strided_slice %get3A_11 {offsets = [64, 0], sizes = [64, 64], strides = [1, 1]} : vector<128x64xf32> to vector<64x64xf32>
    %dot_general3A_23 = arith.constant dense<0.000000e+00> : vector<4096x64xf32>
    %dot_general3A_24 = tpu.matmul %reshape3A_21, %slice3A_22, %dot_general3A_23 {dimension_numbers = #tpu.dot_dimension_numbers<[1], [0], [0], [1], [0, 0, 1, 1], [], []>, transpose_lhs_hint = false} : vector<4096x64xf32>, vector<64x64xf32>, vector<4096x64xf32> -> vector<4096x64xf32>
    %reshape3A_25 = vector.shape_cast %dot_general3A_24 : vector<4096x64xf32> to vector<256x16x64xf32>
    %reduce_max3A = arith.constant dense<0xFF800000> : vector<256x64xf32>
    %reduce_max3A_26 = vector.multi_reduction <maximumf>, %reshape3A_25, %reduce_max3A [1] : vector<256x16x64xf32> to vector<256x64xf32>
    %add3A_27 = arith.addf %add3A_18, %reduce_max3A_26 : vector<256x64xf32>
    %ge3A = arith.constant 0.000000e+00 : f32
    %ge3A_28 = vector.broadcast %ge3A : f32 to vector<256x64xf32>
    %ge3A_29 = arith.cmpf oge, %add3A_27, %ge3A_28 : vector<256x64xf32>
    %mul3A = arith.constant 0.00999999977 : f32
    %mul3A_30 = vector.broadcast %mul3A : f32 to vector<256x64xf32>
    %mul3A_31 = arith.mulf %mul3A_30, %add3A_27 : vector<256x64xf32>
    %select_n3A = arith.select %ge3A_29, %add3A_27, %mul3A_31 : vector<256x64xi1>, vector<256x64xf32>
    %swap3A = arith.constant 0 : index
    %swap3A_32 = arith.constant 0 : index
    %swap3A_33 = arith.constant 0 : index
    %swap3A_34 = vector.load %arg6[%swap3A, %swap3A_32, %swap3A_33] : memref<1x256x64xf32, #tpu.memory_space<vmem>>, vector<1x256x64xf32>
    %swap3A_35 = vector.shape_cast %swap3A_34 : vector<1x256x64xf32> to vector<256x64xf32>
    %swap3A_36 = vector.shape_cast %select_n3A : vector<256x64xf32> to vector<1x256x64xf32>
    tpu.vector_store %arg6[%swap3A, %swap3A_32, %swap3A_33], %swap3A_36 {strides = array<i32>} : memref<1x256x64xf32, #tpu.memory_space<vmem>>, vector<1x256x64xf32>,
    return
  }
  func.func @transform_0(%arg0: i32, %arg1: i32) -> (i32, i32, i32) {
    %c0_i32 = arith.constant 0 : i32
    %c0_i32_0 = arith.constant 0 : i32
    return %arg0, %arg1, %c0_i32 : i32, i32, i32
  }
  func.func @transform_1(%arg0: i32, %arg1: i32) -> (i32, i32, i32) {
    %c0_i32 = arith.constant 0 : i32
    %c0_i32_0 = arith.constant 0 : i32
    return %arg0, %arg1, %c0_i32 : i32, i32, i32
  }
  func.func @transform_2(%arg0: i32, %arg1: i32) -> (i32, i32) {
    %c0_i32 = arith.constant 0 : i32
    %c0_i32_0 = arith.constant 0 : i32
    %c0_i32_1 = arith.constant 0 : i32
    return %c0_i32, %c0_i32_0 : i32, i32
  }
  func.func @transform_3(%arg0: i32, %arg1: i32) -> (i32, i32) {
    %c0_i32 = arith.constant 0 : i32
    %c0_i32_0 = arith.constant 0 : i32
    %c0_i32_1 = arith.constant 0 : i32
    return %c0_i32, %c0_i32_0 : i32, i32
  }
  func.func @transform_4(%arg0: i32, %arg1: i32) -> (i32, i32, i32) {
    %c0_i32 = arith.constant 0 : i32
    %c0_i32_0 = arith.constant 0 : i32
    return %arg0, %arg1, %c0_i32 : i32, i32, i32
  }
}

module attributes {stable_mosaic.version = 14 : i64} {
  func.func @_mlp_proj_kernel(%arg0: i32, %arg1: i32, %arg2: memref<1x256x64xf32, #tpu.memory_space<vmem>>, %arg3: memref<1x4096x128xf32, #tpu.memory_space<vmem>>, %arg4: memref<128x64xf32, #tpu.memory_space<vmem>>, %arg5: memref<1x64xf32, #tpu.memory_space<vmem>>, %arg6: memref<1x256x3xf32, #tpu.memory_space<vmem>>, %arg7: memref<1x256x64xf32, #tpu.memory_space<vmem>>, %arg8: memref<195x64xf32, #tpu.memory_space<vmem>>, %arg9: memref<1x64xf32, #tpu.memory_space<vmem>>, %arg10: memref<1x256x64xf32, #tpu.memory_space<vmem>>) attributes {dimension_semantics = [#tpu.dimension_semantics<arbitrary>, #tpu.dimension_semantics<arbitrary>], iteration_bounds = array<i64: 2, 16>, scalar_prefetch = 0 : i64, scratch_operands = 0 : i64, tpu.core_type = #tpu.core_type<tc>, window_params = [{transform_indices = @transform_0, window_bounds = array<i64: 1, 256, 64>}, {transform_indices = @transform_1, window_bounds = array<i64: 1, 4096, 128>}, {pipeline_mode = #tpu.pipeline_mode<synchronous>, transform_indices = @transform_2, window_bounds = array<i64: 128, 64>}, {pipeline_mode = #tpu.pipeline_mode<synchronous>, transform_indices = @transform_3, window_bounds = array<i64: 1, 64>}, {transform_indices = @transform_4, window_bounds = array<i64: 1, 256, 3>}, {transform_indices = @transform_5, window_bounds = array<i64: 1, 256, 64>}, {pipeline_mode = #tpu.pipeline_mode<synchronous>, transform_indices = @transform_6, window_bounds = array<i64: 195, 64>}, {pipeline_mode = #tpu.pipeline_mode<synchronous>, transform_indices = @transform_7, window_bounds = array<i64: 1, 64>}, {transform_indices = @transform_8, window_bounds = array<i64: 1, 256, 64>}]} {
    %get3A = arith.constant 0 : index
    %get3A_0 = arith.constant 0 : index
    %get3A_1 = arith.constant 0 : index
    %get3A_2 = vector.load %arg2[%get3A, %get3A_0, %get3A_1] : memref<1x256x64xf32, #tpu.memory_space<vmem>>, vector<1x256x64xf32>
    %get3A_3 = vector.shape_cast %get3A_2 : vector<1x256x64xf32> to vector<256x64xf32>
    %get3A_4 = arith.constant 0 : index
    %get3A_5 = arith.constant 0 : index
    %get3A_6 = arith.constant 0 : index
    %get3A_7 = vector.load %arg3[%get3A_4, %get3A_5, %get3A_6] : memref<1x4096x128xf32, #tpu.memory_space<vmem>>, vector<1x4096x128xf32>
    %get3A_8 = vector.shape_cast %get3A_7 : vector<1x4096x128xf32> to vector<4096x128xf32>
    %get3A_9 = arith.constant 0 : index
    %get3A_10 = arith.constant 0 : index
    %get3A_11 = vector.load %arg4[%get3A_9, %get3A_10] : memref<128x64xf32, #tpu.memory_space<vmem>>, vector<128x64xf32>
    %get3A_12 = arith.constant 0 : index
    %get3A_13 = arith.constant 0 : index
    %get3A_14 = vector.load %arg5[%get3A_12, %get3A_13] : memref<1x64xf32, #tpu.memory_space<vmem>>, vector<1x64xf32>
    %get3A_15 = vector.shape_cast %get3A_14 : vector<1x64xf32> to vector<64xf32>
    %slice3A = vector.extract_strided_slice %get3A_8 {offsets = [0, 0], sizes = [4096, 64], strides = [1, 1]} : vector<4096x128xf32> to vector<4096x64xf32>
    %slice3A_16 = vector.extract_strided_slice %get3A_11 {offsets = [0, 0], sizes = [64, 64], strides = [1, 1]} : vector<128x64xf32> to vector<64x64xf32>
    %dot_general3A = arith.constant dense<0.000000e+00> : vector<256x64xf32>
    %dot_general3A_17 = tpu.matmul %get3A_3, %slice3A_16, %dot_general3A {dimension_numbers = #tpu.dot_dimension_numbers<[1], [0], [0], [1], [0, 0, 1, 1], [], []>, transpose_lhs_hint = false} : vector<256x64xf32>, vector<64x64xf32>, vector<256x64xf32> -> vector<256x64xf32>
    %broadcast_in_dim3A = vector.shape_cast %get3A_15 : vector<64xf32> to vector<1x64xf32>
    %add3A = vector.broadcast %broadcast_in_dim3A : vector<1x64xf32> to vector<256x64xf32>
    %add3A_18 = arith.addf %dot_general3A_17, %add3A : vector<256x64xf32>
    %reshape3A = vector.shape_cast %slice3A : vector<4096x64xf32> to vector<256x16x64xf32>
    %broadcast_in_dim3A_19 = vector.shape_cast %get3A_3 : vector<256x64xf32> to vector<256x1x64xf32>
    %sub3A = vector.broadcast %broadcast_in_dim3A_19 : vector<256x1x64xf32> to vector<256x16x64xf32>
    %sub3A_20 = arith.subf %reshape3A, %sub3A : vector<256x16x64xf32>
    %reshape3A_21 = vector.shape_cast %sub3A_20 : vector<256x16x64xf32> to vector<4096x64xf32>
    %slice3A_22 = vector.extract_strided_slice %get3A_11 {offsets = [64, 0], sizes = [64, 64], strides = [1, 1]} : vector<128x64xf32> to vector<64x64xf32>
    %dot_general3A_23 = arith.constant dense<0.000000e+00> : vector<4096x64xf32>
    %dot_general3A_24 = tpu.matmul %reshape3A_21, %slice3A_22, %dot_general3A_23 {dimension_numbers = #tpu.dot_dimension_numbers<[1], [0], [0], [1], [0, 0, 1, 1], [], []>, transpose_lhs_hint = false} : vector<4096x64xf32>, vector<64x64xf32>, vector<4096x64xf32> -> vector<4096x64xf32>
    %reshape3A_25 = vector.shape_cast %dot_general3A_24 : vector<4096x64xf32> to vector<256x16x64xf32>
    %reduce_max3A = arith.constant dense<0xFF800000> : vector<256x64xf32>
    %reduce_max3A_26 = vector.multi_reduction <maximumf>, %reshape3A_25, %reduce_max3A [1] : vector<256x16x64xf32> to vector<256x64xf32>
    %add3A_27 = arith.addf %add3A_18, %reduce_max3A_26 : vector<256x64xf32>
    %ge3A = arith.constant 0.000000e+00 : f32
    %ge3A_28 = vector.broadcast %ge3A : f32 to vector<256x64xf32>
    %ge3A_29 = arith.cmpf oge, %add3A_27, %ge3A_28 : vector<256x64xf32>
    %mul3A = arith.constant 0.00999999977 : f32
    %mul3A_30 = vector.broadcast %mul3A : f32 to vector<256x64xf32>
    %mul3A_31 = arith.mulf %mul3A_30, %add3A_27 : vector<256x64xf32>
    %select_n3A = arith.select %ge3A_29, %add3A_27, %mul3A_31 : vector<256x64xi1>, vector<256x64xf32>
    %get3A_32 = arith.constant 0 : index
    %get3A_33 = arith.constant 0 : index
    %get3A_34 = vector.load %arg8[%get3A_32, %get3A_33] : memref<195x64xf32, #tpu.memory_space<vmem>>, vector<3x64xf32>
    %get3A_35 = arith.constant 3 : index
    %get3A_36 = arith.constant 0 : index
    %get3A_37 = vector.load %arg8[%get3A_35, %get3A_36] : memref<195x64xf32, #tpu.memory_space<vmem>>, vector<64x64xf32>
    %get3A_38 = arith.constant 67 : index
    %get3A_39 = arith.constant 0 : index
    %get3A_40 = vector.load %arg8[%get3A_38, %get3A_39] : memref<195x64xf32, #tpu.memory_space<vmem>>, vector<64x64xf32>
    %get3A_41 = arith.constant 131 : index
    %get3A_42 = arith.constant 0 : index
    %get3A_43 = vector.load %arg8[%get3A_41, %get3A_42] : memref<195x64xf32, #tpu.memory_space<vmem>>, vector<64x64xf32>
    %get3A_44 = arith.constant 0 : index
    %get3A_45 = arith.constant 0 : index
    %get3A_46 = arith.constant 0 : index
    %get3A_47 = vector.load %arg6[%get3A_44, %get3A_45, %get3A_46] : memref<1x256x3xf32, #tpu.memory_space<vmem>>, vector<1x256x3xf32>
    %get3A_48 = vector.shape_cast %get3A_47 : vector<1x256x3xf32> to vector<256x3xf32>
    %dot_general3A_49 = arith.constant dense<0.000000e+00> : vector<256x64xf32>
    %dot_general3A_50 = tpu.matmul %get3A_48, %get3A_34, %dot_general3A_49 {dimension_numbers = #tpu.dot_dimension_numbers<[1], [0], [0], [1], [0, 0, 1, 1], [], []>, transpose_lhs_hint = false} : vector<256x3xf32>, vector<3x64xf32>, vector<256x64xf32> -> vector<256x64xf32>
    %get3A_51 = arith.constant 0 : index
    %get3A_52 = arith.constant 0 : index
    %get3A_53 = arith.constant 0 : index
    %get3A_54 = vector.load %arg7[%get3A_51, %get3A_52, %get3A_53] : memref<1x256x64xf32, #tpu.memory_space<vmem>>, vector<1x256x64xf32>
    %get3A_55 = vector.shape_cast %get3A_54 : vector<1x256x64xf32> to vector<256x64xf32>
    %dot_general3A_56 = arith.constant dense<0.000000e+00> : vector<256x64xf32>
    %dot_general3A_57 = tpu.matmul %get3A_55, %get3A_37, %dot_general3A_56 {dimension_numbers = #tpu.dot_dimension_numbers<[1], [0], [0], [1], [0, 0, 1, 1], [], []>, transpose_lhs_hint = false} : vector<256x64xf32>, vector<64x64xf32>, vector<256x64xf32> -> vector<256x64xf32>
    %add3A_58 = arith.addf %dot_general3A_50, %dot_general3A_57 : vector<256x64xf32>
    %dot_general3A_59 = arith.constant dense<0.000000e+00> : vector<256x64xf32>
    %dot_general3A_60 = tpu.matmul %get3A_3, %get3A_40, %dot_general3A_59 {dimension_numbers = #tpu.dot_dimension_numbers<[1], [0], [0], [1], [0, 0, 1, 1], [], []>, transpose_lhs_hint = false} : vector<256x64xf32>, vector<64x64xf32>, vector<256x64xf32> -> vector<256x64xf32>
    %add3A_61 = arith.addf %add3A_58, %dot_general3A_60 : vector<256x64xf32>
    %dot_general3A_62 = arith.constant dense<0.000000e+00> : vector<256x64xf32>
    %dot_general3A_63 = tpu.matmul %select_n3A, %get3A_43, %dot_general3A_62 {dimension_numbers = #tpu.dot_dimension_numbers<[1], [0], [0], [1], [0, 0, 1, 1], [], []>, transpose_lhs_hint = false} : vector<256x64xf32>, vector<64x64xf32>, vector<256x64xf32> -> vector<256x64xf32>
    %add3A_64 = arith.addf %add3A_61, %dot_general3A_63 : vector<256x64xf32>
    %get3A_65 = arith.constant 0 : index
    %get3A_66 = arith.constant 0 : index
    %get3A_67 = vector.load %arg9[%get3A_65, %get3A_66] : memref<1x64xf32, #tpu.memory_space<vmem>>, vector<1x64xf32>
    %get3A_68 = vector.shape_cast %get3A_67 : vector<1x64xf32> to vector<64xf32>
    %broadcast_in_dim3A_69 = vector.shape_cast %get3A_68 : vector<64xf32> to vector<1x64xf32>
    %add3A_70 = vector.broadcast %broadcast_in_dim3A_69 : vector<1x64xf32> to vector<256x64xf32>
    %add3A_71 = arith.addf %add3A_64, %add3A_70 : vector<256x64xf32>
    %swap3A = arith.constant 0 : index
    %swap3A_72 = arith.constant 0 : index
    %swap3A_73 = arith.constant 0 : index
    %swap3A_74 = vector.load %arg10[%swap3A, %swap3A_72, %swap3A_73] : memref<1x256x64xf32, #tpu.memory_space<vmem>>, vector<1x256x64xf32>
    %swap3A_75 = vector.shape_cast %swap3A_74 : vector<1x256x64xf32> to vector<256x64xf32>
    %swap3A_76 = vector.shape_cast %add3A_71 : vector<256x64xf32> to vector<1x256x64xf32>
    tpu.vector_store %arg10[%swap3A, %swap3A_72, %swap3A_73], %swap3A_76 {strides = array<i32>} : memref<1x256x64xf32, #tpu.memory_space<vmem>>, vector<1x256x64xf32>,
    return
  }
  func.func @transform_0(%arg0: i32, %arg1: i32) -> (i32, i32, i32) {
    %c0_i32 = arith.constant 0 : i32
    %c0_i32_0 = arith.constant 0 : i32
    return %arg0, %arg1, %c0_i32 : i32, i32, i32
  }
  func.func @transform_1(%arg0: i32, %arg1: i32) -> (i32, i32, i32) {
    %c0_i32 = arith.constant 0 : i32
    %c0_i32_0 = arith.constant 0 : i32
    return %arg0, %arg1, %c0_i32 : i32, i32, i32
  }
  func.func @transform_2(%arg0: i32, %arg1: i32) -> (i32, i32) {
    %c0_i32 = arith.constant 0 : i32
    %c0_i32_0 = arith.constant 0 : i32
    %c0_i32_1 = arith.constant 0 : i32
    return %c0_i32, %c0_i32_0 : i32, i32
  }
  func.func @transform_3(%arg0: i32, %arg1: i32) -> (i32, i32) {
    %c0_i32 = arith.constant 0 : i32
    %c0_i32_0 = arith.constant 0 : i32
    %c0_i32_1 = arith.constant 0 : i32
    return %c0_i32, %c0_i32_0 : i32, i32
  }
  func.func @transform_4(%arg0: i32, %arg1: i32) -> (i32, i32, i32) {
    %c0_i32 = arith.constant 0 : i32
    %c0_i32_0 = arith.constant 0 : i32
    return %arg0, %arg1, %c0_i32 : i32, i32, i32
  }
  func.func @transform_5(%arg0: i32, %arg1: i32) -> (i32, i32, i32) {
    %c0_i32 = arith.constant 0 : i32
    %c0_i32_0 = arith.constant 0 : i32
    return %arg0, %arg1, %c0_i32 : i32, i32, i32
  }
  func.func @transform_6(%arg0: i32, %arg1: i32) -> (i32, i32) {
    %c0_i32 = arith.constant 0 : i32
    %c0_i32_0 = arith.constant 0 : i32
    %c0_i32_1 = arith.constant 0 : i32
    return %c0_i32, %c0_i32_0 : i32, i32
  }
  func.func @transform_7(%arg0: i32, %arg1: i32) -> (i32, i32) {
    %c0_i32 = arith.constant 0 : i32
    %c0_i32_0 = arith.constant 0 : i32
    %c0_i32_1 = arith.constant 0 : i32
    return %c0_i32, %c0_i32_0 : i32, i32
  }
  func.func @transform_8(%arg0: i32, %arg1: i32) -> (i32, i32, i32) {
    %c0_i32 = arith.constant 0 : i32
    %c0_i32_0 = arith.constant 0 : i32
    return %arg0, %arg1, %c0_i32 : i32, i32, i32
  }
}

</mosaic_0001>

<sc_bundles>
// kernel: kernel.26.cloned.1.call-start
scs
__scs_entry_jumppad:
0x0: {  	(pc) =	sbr.rel $0x88, $3  }
0x1: {  	(tag) =	ssettag $0x0;
	lr =	simm.s32 $0x1  }
0x2: {  	[smem:$0x3F98] =	sst lr;
	_ =	strace $0xD0000000  }
0x3: {  	_ = 	snop  }
0x4: {  	_ = 	snop  }
0x5: {  	_ = 	snop  }
0x6: {  	_ = 	snop  }
0x7: {  	_ = 	snop  }
__scs_overlays_trampoline_lowered:
0x8: {  	[smem:$0x3FA7] =	sst s0  }
0x9: {  	[smem:$0x3FA8] =	sst s1  }
0xa: {  	[smem:$0x3FA9] =	sst s2  }
0xb: {  	[smem:$0x3FAA] =	sst s3  }
0xc: {  	[smem:$0x3FAB] =	sst s4  }
0xd: {  	[smem:$0x3FAC] =	sst s5  }
0xe: {  	[smem:$0x3FAD] =	sst s6  }
0xf: {  	[smem:$0x3FAE] =	sst s7  }
0x10: {  	[smem:$0x3FAF] =	sst s8  }
0x11: {  	[smem:$0x3FB0] =	sst s9;
	s0 =	simm.s32 @!p0 $0x0  }
0x12: {  	s1 =	sld [smem:$0x3F96];
	s0 =	simm.s32 @p0 $0x1  }
0x13: {  	[smem:$0x3FB1] =	sst s0;
	s0 =	simm.s32 @!p1 $0x0  }
0x14: {  	s2 =	sld [smem:$0x3F95];
	s0 =	simm.s32 @p1 $0x1  }
0x15: {  	[smem:$0x3FB2] =	sst s0;
	s0 =	simm.s32 @!p2 $0x0  }
0x16: {  	s3 =	sld [smem:$0x3FDB];
	s0 =	simm.s32 @p2 $0x1  }
0x17: {  	s4 =	simm.s32 $0x1BF5;
	[smem:$0x3FB4] =	sst s0  }
0x18: {  	s0 =	sld [smem:$0x3F97];
	_ =	swait.ge [sflag:s4], $0x0  }
0x19: {  	s7 =	sld [smem:$0x3F98]  }
0x1a: {  	s8 =	sadd.s32 $0xFFFFE003, lr  }
0x1b: {  	s9 =	sadd.s32 $0xFFFFFEF7, lr;
	s5 =	simm.s32 $0xFFFFFFFF;
	p2 =	slt.u32 s8, $0xFFFFF086  }
0x1c: {  	p1 =	slt.u32 s9, $0xF7A;
	s5 =	simm.s32 @!p2 $0x0  }
0x1d: {  	s5 =	simm.s32 @p1 $0x1;
	p0 =	seq.s32 s7, s2  }
0x1e: {  	s7 =	smul.u32 @!p0 $0xF7A, s2;
	p2 =	seq.s32 @!p0 s5, $0x0  }
0x1f: {  	s9 =	smul.u32 $0xF7A, s1;
	s8 =	simm.s32 @!p0 $0x1BF5;
	p2 =	por !p2, p0  }
0x20: {  	[sflag:s8] =	ssyncset.s32 @!p0 $0xFFFFF086;
	s6 =	sadd.s32 @!p0 s3, s7;
	s7 =	simm.s32 @!p0 $0x108  }
0x21: {  	s3 =	sadd.s32 s3, s9;
	s6 =	sadd.s32 @!p0 $0x88, s6;
	s7 =	simm.s32 @p2 $0x1082  }
0x22: {  	[simem:s7], [sflag:s8] =	dma.local @!p0 [hbm:s6], $0xF7A  }
0x23: {  	s9 =	sor.u32 $0xD0000000, s2;
	s6 =	simm.s32 $0x108;
	_ =	swait.ge @!p0 [sflag:s8], $0x0  }
0x24: {  	s3 =	sadd.s32 $0x88, s3;
	s6 =	simm.s32 @!p1 $0x1082;
	[sflag:s4] =	ssyncset.s32 $0xFFFFF086  }
0x25: {  	[simem:s6], [sflag:s4] =	dma.local [hbm:s3], $0xF7A  }
0x26: {  	[smem:$0x3F98] =	sst s1;
	(tag) =	ssettag s2;
	_ =	strace s9  }
0x27: {  	s1 =	sld [smem:$0x3FA8]  }
0x28: {  	s2 =	sld [smem:$0x3FA9]  }
0x29: {  	s4 =	sld [smem:$0x3FAB]  }
0x2a: {  	p0 =	seq.s32 s5, $0x0;
	s5 =	sld [smem:$0x3FAC]  }
0x2b: {  	s6 =	sld [smem:$0x3FAD]  }
0x2c: {  	s7 =	sld [smem:$0x3FAE]  }
0x2d: {  	s3 =	simm.s32 $0x108;
	s8 =	sld [smem:$0x3FAF]  }
0x2e: {  	s3 =	simm.s32 @!p0 $0x1082;
	s9 =	sld [smem:$0x3FB0]  }
0x2f: {  	lr =	sadd.s32 s0, s3;
	s0 =	sld [smem:$0x3FA7]  }
0x30: {  	s3 =	sld [smem:$0x3FAA]  }
0x31: {  	[smem:$0x3FB3] =	sst s10  }
0x32: {  	s10 =	sld [smem:$0x3FB1];
	_ =	sdelay $0x3  }
0x33: {  	p0 =	seq.s32 s10, $0x1;
	s10 =	sld [smem:$0x3FB3];
	_ =	sdelay $0x3  }
0x34: {  	[smem:$0x3FB3] =	sst s10  }
0x35: {  	s10 =	sld [smem:$0x3FB2];
	_ =	sdelay $0x3  }
0x36: {  	p1 =	seq.s32 s10, $0x1;
	s10 =	sld [smem:$0x3FB3];
	_ =	sdelay $0x3  }
0x37: {  	[smem:$0x3FB3] =	sst s10  }
0x38: {  	s10 =	sld [smem:$0x3FB4]  }
0x39: {  	_ = 	snop;
	(pc) =	sbr.ind lr, $3  }
0x3a: {  	_ = 	snop  }
0x3b: {  	_ = 	snop  }
0x3c: {  	p2 =	seq.s32 s10, $0x1;
	s10 =	sld [smem:$0x3FB3]  }
0x3d: {  	_ =	shalt  }
0x3e: {  	_ =	shalt  }
0x3f: {  	_ =	shalt  }
0x40: {  	_ =	shalt  }
0x41: {  	_ =	shalt  }
0x42: {  	_ =	shalt  }
0x43: {  	_ =	shalt  }
0x44: {  	_ =	shalt  }
0x45: {  	_ =	shalt  }
0x46: {  	_ =	shalt  }
0x47: {  	_ =	shalt  }
0x48: {  	_ =	shalt  }
0x49: {  	_ =	shalt  }
0x4a: {  	_ =	shalt  }
0x4b: {  	_ =	shalt  }
0x4c: {  	_ =	shalt  }
0x4d: {  	_ =	shalt  }
0x4e: {  	_ =	shalt  }
0x4f: {  	_ =	shalt  }
0x50: {  	_ =	shalt  }
0x51: {  	_ =	shalt  }
0x52: {  	_ =	shalt  }
0x53: {  	_ =	shalt  }
0x54: {  	_ =	shalt  }
0x55: {  	_ =	shalt  }
0x56: {  	_ =	shalt  }
0x57: {  	_ =	shalt  }
0x58: {  	_ =	shalt  }
0x59: {  	_ =	shalt  }
0x5a: {  	_ =	shalt  }
0x5b: {  	_ =	shalt  }
0x5c: {  	_ =	shalt  }
0x5d: {  	_ =	shalt  }
0x5e: {  	_ =	shalt  }
0x5f: {  	_ =	shalt  }
0x60: {  	_ =	shalt  }
0x61: {  	_ =	shalt  }
0x62: {  	_ =	shalt  }
0x63: {  	_ =	shalt  }
0x64: {  	_ =	shalt  }
0x65: {  	_ =	shalt  }
0x66: {  	_ =	shalt  }
0x67: {  	_ =	shalt  }
0x68: {  	_ =	shalt  }
0x69: {  	_ =	shalt  }
0x6a: {  	_ =	shalt  }
0x6b: {  	_ =	shalt  }
0x6c: {  	_ =	shalt  }
0x6d: {  	_ =	shalt  }
0x6e: {  	_ =	shalt  }
0x6f: {  	_ =	shalt  }
0x70: {  	_ =	shalt  }
0x71: {  	_ =	shalt  }
0x72: {  	_ =	shalt  }
0x73: {  	_ =	shalt  }
0x74: {  	_ =	shalt  }
0x75: {  	_ =	shalt  }
0x76: {  	_ =	shalt  }
0x77: {  	_ =	shalt  }
0x78: {  	_ =	shalt  }
0x79: {  	_ =	shalt  }
0x7a: {  	_ =	shalt  }
0x7b: {  	_ =	shalt  }
0x7c: {  	_ =	shalt  }
0x7d: {  	_ =	shalt  }
0x7e: {  	_ =	shalt  }
0x7f: {  	_ =	shalt  }
0x80: {  	_ =	shalt  }
0x81: {  	_ =	shalt  }
0x82: {  	_ =	shalt  }
0x83: {  	_ =	shalt  }
0x84: {  	_ =	shalt  }
0x85: {  	_ =	shalt  }
0x86: {  	_ =	shalt  }
0x87: {  	_ =	shalt  }
.Lfunc_end0:
.L_simem_size_0:
called_computation_lowered:
.L_overlay_start_0:
0x88: {  	s2 =	sld [smem:$0x3FD9]  }
0x89: {  	s3 =	sld [smem:$0x3FFE];
	_ =	sdelay $0x1  }
0x8a: {  	s1 =	srdreg.scid  }
0x8b: {  	s0 =	sand.u32 $0x1, s1  }
0x8c: {  	s16 =	sshll.u32 s0, $0xA;
	s2 =	sadd.s32 s3, s2  }
0x8d: {  	s2 =	sadd.s32 s2, s16  }
0x8e: {  	[smem:$0x3FBF] =	sst s2  }
0x8f: {  	_ = 	snop  }
0x90: {  	(tm) =	ssettm $0x1  }
0x91: {  	s17 =	sld [smem:$0x3FFB];
	_ =	sdelay $0x3  }
0x92: {  	_ =	strace s17  }
0x93: {  	s2 =	sld [smem:$0x3FFC];
	_ =	sdelay $0x3  }
0x94: {  	_ =	strace s2  }
0x95: {  	s2 =	sld [smem:$0x3FFD];
	_ =	sdelay $0x3  }
0x96: {  	_ =	strace s2  }
0x97: {  	_ =	strace $0x8FFFFFFF  }
0x98: {  	s18 =	sld [smem:$0x3FDB];
	_ =	sdelay $0x1  }
0x99: {  	s19 =	simm.s32 $_scs_section_size  }
0x9a: {  	s4 =	simm.s32 $_size__tile_overlayer_lowered;
	s5 =	simm.s32 $_tile_overlayer_lowered  }
0x9b: {  	s22 =	simm.s32 $0x1BFF;
	s21 =	sshll.u32 s5, $0x1;
	s2 =	sadd.s32 s19, s18  }
0x9c: {  	s6 =	simm.s32 $0x0;
	s20 =	sshll.u32 s4, $0x1;
	s4 =	sadd.s32 s21, s2  }
0x9d: {  	[timem:s6], [sflag:s22] =	dma.local [hbm:s4], s20  }
0x9e: {  	_ =	swait.ge [sflag:s22], s20  }
0x9f: {  	s3 =	ssub.s32 $0x0, s20;
	[sflag:s22] =	ssyncset.done $0x0  }
0xa0: {  	[sflag:s22] =	ssyncadd.s32 s3;
	_ =	sdelay $0x1  }
0xa1: {  	s23 =	simm.s32 $0x1B8B  }
0xa2: {  	_ =	swait.ge [sflag:s23], $0x1  }
0xa3: {  	[sflag:s23] =	ssyncset.done $0x0  }
0xa4: {  	s25 =	simm.s32 $0x1B8E;
	s24 =	sld [smem:$0x3FFE];
	[sflag:s23] =	ssyncadd.s32 $0xFFFFFFFF  }
0xa5: {  	s26 =	simm.s32 $execute0_lowered;
	[smem:$0x3FD2] =	sst s25  }
0xa6: {  	s4 =	sshll.u32 s26, $0x1;
	_ =	strace $0x80000046;
	[dreg:$0x1] =	wrdreg $0xFFFFFFFF  }
0xa7: {  	s28 =	simm.s32 $_size_execute0_lowered;
	s2 =	sadd.s32 s2, s4;
	[dreg:$0x0] =	wrdreg $0x0  }
0xa8: {  	s4 =	sshll.u32 s28, $0x1;
	[dreg:$0x2] =	wrdreg s2  }
0xa9: {  	[dreg:$0x3] =	wrdreg s4  }
0xaa: {  	[dreg:$0x4] =	wrdreg $0xC0  }
0xab: {  	_ =	task [dreg:s6], $0x5FFFF  }
0xac: {  	[dreg:$0x1] =	wrdreg $0xFFFFFFFF  }
0xad: {  	[dreg:$0x0] =	wrdreg $0x60  }
0xae: {  	[dreg:$0x2] =	wrdreg s24  }
0xaf: {  	[dreg:$0x3] =	wrdreg $0xA  }
0xb0: {  	_ =	task.clear_ibuf [dreg:s6], $0x4FFFF;
	_ =	strace $0x90000046  }
0xb1: {  	s29 =	simm.s32 $0xA;
	_ =	strace $0x80000048  }
0xb2: {  	_ =	swait.ge [sflag:s29], $0x1  }
0xb3: {  	[sflag:s29] =	ssyncadd.s32 $0xFFFFFFFF  }
0xb4: {  	_ =	strace $0x90000048  }
0xb5: {  	_ =	sfence  }
0xb6: {  	s30 =	sld [smem:$0x0];
	_ =	sdelay $0x2  }
0xb7: {  	s31 =	sshll.u32 s1, $0xD;
	s1 =	sshrl.u32 s1, $0x2  }
0xb8: {  	s3 =	sand.u32 $0x4000, s31;
	s1 =	sadd.s32 s1, s30  }
0xb9: {  	s0 =	sor.u32 s3, s0;
	s1 =	sshll.u32 s1, $0x11  }
0xba: {  	s0 =	sor.u32 s1, s0  }
0xbb: {  	s0 =	sadd.s32 $0x8F2B, s0  }
0xbc: {  	[sflag:s0] =	ssyncadd.remote.s32 $0x1  }
0xbd: {  	_ =	sfence.sel $0xFFFF  }
0xbe: {  	[dreg:$0x0] =	wrdreg $0xFFFFFFFF;
	(pc) =	sbr.abs _section_cstart, $3  }
0xbf: {  	[dreg:$0x1] =	wrdreg $0xFFFFFFFF  }
0xc0: {  	_ =	task.clear_ibuf [dreg:s6], $0x2FFFF;
	_ =	strace $0x9FFFFFFF  }
0xc1: {  	(tm) =	ssettm $0x7FFFFFFF  }
tec
execute0_lowered:
.L_overlay_start_1:
0x0: {  	(tag) =	ssettag $0x1  }
0x1: {  	s4 =	rddreg [dreg:$0x0]  }
0x2: {  	s0 =	rddreg [dreg:$0x1];
	s2 =	simm.s32 $0x0;
	s3 =	srdreg.scid  }
0x3: {  	s1 =	stileid.u32;
	s10 =	simm.s32 $0x0;
	[smem:$0x7FF] =	sst s2  }
0x4: {  	s5 =	sand.u32 $0x1, s3;
	s6 =	sshll.u32 s1, $0xD;
	s3 =	sadd.s32 $0x28800, s4  }
0x5: {  	s8 =	sshll.u32 s1, $0x11;
	_ =	strace $0x80000047;
	s7 =	sshll.u32 s5, $0xC  }
0x6: {  	s31 =	ssub.s32 $0x2, s5;
	s8 =	sadd.s32 s8, s4;
	s5 =	sshll.u32 s5, $0x10  }
0x7: {  	s6 =	sor.u32 s7, s6;
	s9 =	sshrl.u32 s31, $0x1;
	s5 =	sadd.s32 s5, s8  }
0x8: {  	s8 =	simm.s32 $0x80;
	s6 =	sshrl.u32 s6, $0x3;
	s7 =	ssub.s32 s31, s9  }
0x9: {  	s5 =	sadd.s32 $0x48800, s5;
	s9 =	simm.s32 $0x1;
	s6 =	sadd.s32 s6, s4  }
0xa: {  	s4 =	smax.u32 s7, $0x1;
	s7 =	simm.s32 $0x2;
	s6 =	sadd.s32 $0x24800, s6  }
.LBB2_1:
0xb: {  	s11 =	sadd.s32 $0x0, s6  }
0xc: {  	[tilespmem:s2], [sflag:$0x2] =	stream.linear.gather [hbm4b:s11+s2], $0x80, $0x38;
	[tilespmem:$0x4080] =	vst v63  }
0xd: {  	_ =	swait.ge [sflag:s7], $0x80  }
0xe: {  	[sflag:s7] =	ssyncset.done $0x0  }
0xf: {  	[sflag:s7] =	ssyncadd.s32 $0xFFFFFF80  }
0x10: {  	[tilespmem:s8], [sflag:$0x1] =	stream.indirect.gather [hbm4b:s3+s8], $0x80, s2, s8, $0xb8;
	[tilespmem:$0x4080] =	vst v63  }
0x11: {  	_ =	swait.ge [sflag:s9], $0x4000  }
0x12: {  	[sflag:s9] =	ssyncset.done $0x0  }
0x13: {  	[sflag:s9] =	ssyncadd.s32 $0xFFFFC000  }
0x14: {  	[hbm4b:s5+s2] =	stream.linear.scatter [tilespmem:s8], [sflag:$0x2], $0x4000, $0x38;
	[tilespmem:$0x4080] =	vst v63  }
0x15: {  	s12 =	simm.s32 $0x10;
	_ =	swait.ge [sflag:s7], $0x4000  }
0x16: {  	s13 =	simm.s32 $0x20;
	s11 =	sadd.s32 $0x800, s5;
	[sflag:s7] =	ssyncset.done $0x0  }
.LBB2_2:
0x17: {  	s14 =	sadd.s32 s12, s6  }
0x18: {  	[sflag:s7] =	ssyncadd.s32 $0xFFFFC000;
	s12 =	smov.u32 s13;
	s15 =	sadd.s32 $0x10, s13  }
0x19: {  	[tilespmem:s2], [sflag:$0x2] =	stream.linear.gather [hbm4b:s14+s2], $0x80, $0x38;
	[tilespmem:$0x4080] =	vst v63  }
0x1a: {  	p0 =	sne.s32 s13, $0x1F0;
	_ =	swait.ge [sflag:s7], $0x80  }
0x1b: {  	[sflag:s7] =	ssyncset.done $0x0  }
0x1c: {  	[sflag:s7] =	ssyncadd.s32 $0xFFFFFF80  }
0x1d: {  	[tilespmem:s8], [sflag:$0x1] =	stream.indirect.gather [hbm4b:s3+s8], $0x80, s2, s8, $0xb8;
	[tilespmem:$0x4080] =	vst v63  }
0x1e: {  	_ =	swait.ge [sflag:s9], $0x4000  }
.Ltmp0:
0x1f: {  	[sflag:s9] =	ssyncset.done $0x0;
	(pc) =	sbr.rel @p0 .LBB2_2-.Ltmp0, $4  }
0x20: {  	[sflag:s9] =	ssyncadd.s32 $0xFFFFC000  }
0x21: {  	[hbm4b:s11+s2] =	stream.linear.scatter [tilespmem:s8], [sflag:$0x2], $0x4000, $0x38;
	[tilespmem:$0x4080] =	vst v63  }
0x22: {  	_ =	swait.ge [sflag:s7], $0x4000  }
0x23: {  	s13 =	smov.u32 s15;
	s11 =	sadd.s32 $0x800, s11;
	[sflag:s7] =	ssyncset.done $0x0  }
0x24: {  	s12 =	sadd.s32 s12, s6;
	[sflag:s7] =	ssyncadd.s32 $0xFFFFC000  }
0x25: {  	[tilespmem:s2], [sflag:$0x2] =	stream.linear.gather [hbm4b:s12+s2], $0x80, $0x38;
	[tilespmem:$0x4080] =	vst v63  }
0x26: {  	_ =	swait.ge [sflag:s7], $0x80  }
0x27: {  	[sflag:s7] =	ssyncset.done $0x0  }
0x28: {  	[sflag:s7] =	ssyncadd.s32 $0xFFFFFF80  }
0x29: {  	[tilespmem:s8], [sflag:$0x1] =	stream.indirect.gather [hbm4b:s3+s8], $0x80, s2, s8, $0xb8;
	[tilespmem:$0x4080] =	vst v63  }
0x2a: {  	s10 =	sadd.s32 $0x1, s10;
	_ =	swait.ge [sflag:s9], $0x4000  }
0x2b: {  	p0 =	sne.s32 s10, s4;
	[sflag:s9] =	ssyncset.done $0x0  }
.Ltmp1:
0x2c: {  	[sflag:s9] =	ssyncadd.s32 $0xFFFFC000;
	(pc) =	sbr.rel @p0 .LBB2_1-.Ltmp1, $4  }
0x2d: {  	[hbm4b:s11+s2] =	stream.linear.scatter [tilespmem:s8], [sflag:$0x2], $0x4000, $0x38;
	[tilespmem:$0x4080] =	vst v63  }
0x2e: {  	_ =	swait.ge [sflag:s7], $0x4000  }
0x2f: {  	[sflag:s7] =	ssyncset.done $0x0  }
0x30: {  	[sflag:s7] =	ssyncadd.s32 $0xFFFFC000  }
0x31: {  	_ =	sfence.sel $0x180000  }
0x32: {  	[bflag:$0x0] =	sbarrier.arrive $0xFFFF  }
0x33: {  	p0 =	sne.s32 s1, $0x0;
	_ =	strace $0x90000047  }
0x34: {  	s0 =	sadd.s32 @!p0 $0x100000, s0;
	[bflag:$0x2] =	sbarrier.arrive $0xFFFF  }
0x35: {  	[sflag:s0] =	ssyncadd.tile.s32 @!p0 $0x1;
	_ =	shalt  }
.Lfunc_end2:
_tile_overlayer_lowered:
.L_overlay_start_2:
0x36: {  	(tag) =	ssettag $0x2  }
0x37: {  	s0 =	rddreg [dreg:$0x0];
	s2 =	stileid.u32  }
0x38: {  	s1 =	rddreg [dreg:$0x1];
	p0 =	sne.s32 s2, $0x0  }
0x39: {  	s3 =	rddreg [dreg:$0x2];
	[bflag:$0x3] =	sbarrier.arrive $0xFFFF;
	s2 =	simm.s32 @!p0 $0x1C02  }
0x3a: {  	[timem:s3], [sflag:s2] =	dma.local @!p0 [hbm:s0], s1  }
0x3b: {  	s0 =	simm.s32 @!p0 $0x2  }
0x3c: {  	_ =	swait.ge @!p0 [sflag:s0], s1  }
0x3d: {  	s1 =	ssub.s32 @!p0 $0x0, s1;
	[sflag:s0] =	ssyncset.done @!p0 $0x0  }
0x3e: {  	[sflag:s0] =	ssyncadd.s32 @!p0 s1  }
0x3f: {  	[bflag:$0x3] =	sbarrier.arrive $0xFFFF  }
0x40: {  	_ =	shalt  }

// kernel: kernel.29.cloned.1.call-start
scs
__scs_entry_jumppad:
0x0: {  	(pc) =	sbr.rel $0x88, $3  }
0x1: {  	(tag) =	ssettag $0x0;
	lr =	simm.s32 $0x1  }
0x2: {  	[smem:$0x3F98] =	sst lr;
	_ =	strace $0xD0000000  }
0x3: {  	_ = 	snop  }
0x4: {  	_ = 	snop  }
0x5: {  	_ = 	snop  }
0x6: {  	_ = 	snop  }
0x7: {  	_ = 	snop  }
__scs_overlays_trampoline_lowered:
0x8: {  	[smem:$0x3FA7] =	sst s0  }
0x9: {  	[smem:$0x3FA8] =	sst s1  }
0xa: {  	[smem:$0x3FA9] =	sst s2  }
0xb: {  	[smem:$0x3FAA] =	sst s3  }
0xc: {  	[smem:$0x3FAB] =	sst s4  }
0xd: {  	[smem:$0x3FAC] =	sst s5  }
0xe: {  	[smem:$0x3FAD] =	sst s6  }
0xf: {  	[smem:$0x3FAE] =	sst s7  }
0x10: {  	[smem:$0x3FAF] =	sst s8  }
0x11: {  	[smem:$0x3FB0] =	sst s9;
	s0 =	simm.s32 @!p0 $0x0  }
0x12: {  	s1 =	sld [smem:$0x3F96];
	s0 =	simm.s32 @p0 $0x1  }
0x13: {  	[smem:$0x3FB1] =	sst s0;
	s0 =	simm.s32 @!p1 $0x0  }
0x14: {  	s2 =	sld [smem:$0x3F95];
	s0 =	simm.s32 @p1 $0x1  }
0x15: {  	[smem:$0x3FB2] =	sst s0;
	s0 =	simm.s32 @!p2 $0x0  }
0x16: {  	s3 =	sld [smem:$0x3FDB];
	s0 =	simm.s32 @p2 $0x1  }
0x17: {  	s4 =	simm.s32 $0x1BF5;
	[smem:$0x3FB4] =	sst s0  }
0x18: {  	s0 =	sld [smem:$0x3F97];
	_ =	swait.ge [sflag:s4], $0x0  }
0x19: {  	s7 =	sld [smem:$0x3F98]  }
0x1a: {  	s8 =	sadd.s32 $0xFFFFE003, lr  }
0x1b: {  	s9 =	sadd.s32 $0xFFFFFEF7, lr;
	s5 =	simm.s32 $0xFFFFFFFF;
	p2 =	slt.u32 s8, $0xFFFFF086  }
0x1c: {  	p1 =	slt.u32 s9, $0xF7A;
	s5 =	simm.s32 @!p2 $0x0  }
0x1d: {  	s5 =	simm.s32 @p1 $0x1;
	p0 =	seq.s32 s7, s2  }
0x1e: {  	s7 =	smul.u32 @!p0 $0xF7A, s2;
	p2 =	seq.s32 @!p0 s5, $0x0  }
0x1f: {  	s9 =	smul.u32 $0xF7A, s1;
	s8 =	simm.s32 @!p0 $0x1BF5;
	p2 =	por !p2, p0  }
0x20: {  	[sflag:s8] =	ssyncset.s32 @!p0 $0xFFFFF086;
	s6 =	sadd.s32 @!p0 s3, s7;
	s7 =	simm.s32 @!p0 $0x108  }
0x21: {  	s3 =	sadd.s32 s3, s9;
	s6 =	sadd.s32 @!p0 $0x88, s6;
	s7 =	simm.s32 @p2 $0x1082  }
0x22: {  	[simem:s7], [sflag:s8] =	dma.local @!p0 [hbm:s6], $0xF7A  }
0x23: {  	s9 =	sor.u32 $0xD0000000, s2;
	s6 =	simm.s32 $0x108;
	_ =	swait.ge @!p0 [sflag:s8], $0x0  }
0x24: {  	s3 =	sadd.s32 $0x88, s3;
	s6 =	simm.s32 @!p1 $0x1082;
	[sflag:s4] =	ssyncset.s32 $0xFFFFF086  }
0x25: {  	[simem:s6], [sflag:s4] =	dma.local [hbm:s3], $0xF7A  }
0x26: {  	[smem:$0x3F98] =	sst s1;
	(tag) =	ssettag s2;
	_ =	strace s9  }
0x27: {  	s1 =	sld [smem:$0x3FA8]  }
0x28: {  	s2 =	sld [smem:$0x3FA9]  }
0x29: {  	s4 =	sld [smem:$0x3FAB]  }
0x2a: {  	p0 =	seq.s32 s5, $0x0;
	s5 =	sld [smem:$0x3FAC]  }
0x2b: {  	s6 =	sld [smem:$0x3FAD]  }
0x2c: {  	s7 =	sld [smem:$0x3FAE]  }
0x2d: {  	s3 =	simm.s32 $0x108;
	s8 =	sld [smem:$0x3FAF]  }
0x2e: {  	s3 =	simm.s32 @!p0 $0x1082;
	s9 =	sld [smem:$0x3FB0]  }
0x2f: {  	lr =	sadd.s32 s0, s3;
	s0 =	sld [smem:$0x3FA7]  }
0x30: {  	s3 =	sld [smem:$0x3FAA]  }
0x31: {  	[smem:$0x3FB3] =	sst s10  }
0x32: {  	s10 =	sld [smem:$0x3FB1];
	_ =	sdelay $0x3  }
0x33: {  	p0 =	seq.s32 s10, $0x1;
	s10 =	sld [smem:$0x3FB3];
	_ =	sdelay $0x3  }
0x34: {  	[smem:$0x3FB3] =	sst s10  }
0x35: {  	s10 =	sld [smem:$0x3FB2];
	_ =	sdelay $0x3  }
0x36: {  	p1 =	seq.s32 s10, $0x1;
	s10 =	sld [smem:$0x3FB3];
	_ =	sdelay $0x3  }
0x37: {  	[smem:$0x3FB3] =	sst s10  }
0x38: {  	s10 =	sld [smem:$0x3FB4]  }
0x39: {  	_ = 	snop;
	(pc) =	sbr.ind lr, $3  }
0x3a: {  	_ = 	snop  }
0x3b: {  	_ = 	snop  }
0x3c: {  	p2 =	seq.s32 s10, $0x1;
	s10 =	sld [smem:$0x3FB3]  }
0x3d: {  	_ =	shalt  }
0x3e: {  	_ =	shalt  }
0x3f: {  	_ =	shalt  }
0x40: {  	_ =	shalt  }
0x41: {  	_ =	shalt  }
0x42: {  	_ =	shalt  }
0x43: {  	_ =	shalt  }
0x44: {  	_ =	shalt  }
0x45: {  	_ =	shalt  }
0x46: {  	_ =	shalt  }
0x47: {  	_ =	shalt  }
0x48: {  	_ =	shalt  }
0x49: {  	_ =	shalt  }
0x4a: {  	_ =	shalt  }
0x4b: {  	_ =	shalt  }
0x4c: {  	_ =	shalt  }
0x4d: {  	_ =	shalt  }
0x4e: {  	_ =	shalt  }
0x4f: {  	_ =	shalt  }
0x50: {  	_ =	shalt  }
0x51: {  	_ =	shalt  }
0x52: {  	_ =	shalt  }
0x53: {  	_ =	shalt  }
0x54: {  	_ =	shalt  }
0x55: {  	_ =	shalt  }
0x56: {  	_ =	shalt  }
0x57: {  	_ =	shalt  }
0x58: {  	_ =	shalt  }
0x59: {  	_ =	shalt  }
0x5a: {  	_ =	shalt  }
0x5b: {  	_ =	shalt  }
0x5c: {  	_ =	shalt  }
0x5d: {  	_ =	shalt  }
0x5e: {  	_ =	shalt  }
0x5f: {  	_ =	shalt  }
0x60: {  	_ =	shalt  }
0x61: {  	_ =	shalt  }
0x62: {  	_ =	shalt  }
0x63: {  	_ =	shalt  }
0x64: {  	_ =	shalt  }
0x65: {  	_ =	shalt  }
0x66: {  	_ =	shalt  }
0x67: {  	_ =	shalt  }
0x68: {  	_ =	shalt  }
0x69: {  	_ =	shalt  }
0x6a: {  	_ =	shalt  }
0x6b: {  	_ =	shalt  }
0x6c: {  	_ =	shalt  }
0x6d: {  	_ =	shalt  }
0x6e: {  	_ =	shalt  }
0x6f: {  	_ =	shalt  }
0x70: {  	_ =	shalt  }
0x71: {  	_ =	shalt  }
0x72: {  	_ =	shalt  }
0x73: {  	_ =	shalt  }
0x74: {  	_ =	shalt  }
0x75: {  	_ =	shalt  }
0x76: {  	_ =	shalt  }
0x77: {  	_ =	shalt  }
0x78: {  	_ =	shalt  }
0x79: {  	_ =	shalt  }
0x7a: {  	_ =	shalt  }
0x7b: {  	_ =	shalt  }
0x7c: {  	_ =	shalt  }
0x7d: {  	_ =	shalt  }
0x7e: {  	_ =	shalt  }
0x7f: {  	_ =	shalt  }
0x80: {  	_ =	shalt  }
0x81: {  	_ =	shalt  }
0x82: {  	_ =	shalt  }
0x83: {  	_ =	shalt  }
0x84: {  	_ =	shalt  }
0x85: {  	_ =	shalt  }
0x86: {  	_ =	shalt  }
0x87: {  	_ =	shalt  }
.Lfunc_end0:
.L_simem_size_0:
called_computation.1_lowered:
.L_overlay_start_0:
0x88: {  	s2 =	sld [smem:$0x3FD9]  }
0x89: {  	s3 =	sld [smem:$0x3FFE];
	_ =	sdelay $0x1  }
0x8a: {  	s1 =	srdreg.scid  }
0x8b: {  	s0 =	sand.u32 $0x1, s1  }
0x8c: {  	s17 =	sshll.u32 s0, $0xA;
	s2 =	sadd.s32 s3, s2  }
0x8d: {  	s2 =	sadd.s32 s2, s17  }
0x8e: {  	[smem:$0x3FBF] =	sst s2  }
0x8f: {  	_ = 	snop  }
0x90: {  	(tm) =	ssettm $0x1  }
0x91: {  	s18 =	sld [smem:$0x3FFB];
	_ =	sdelay $0x3  }
0x92: {  	_ =	strace s18  }
0x93: {  	s2 =	sld [smem:$0x3FFC];
	_ =	sdelay $0x3  }
0x94: {  	_ =	strace s2  }
0x95: {  	s2 =	sld [smem:$0x3FFD];
	_ =	sdelay $0x3  }
0x96: {  	_ =	strace s2  }
0x97: {  	_ =	strace $0x8FFFFFFF  }
0x98: {  	s19 =	sld [smem:$0x3FDB];
	_ =	sdelay $0x1  }
0x99: {  	s20 =	simm.s32 $_scs_section_size  }
0x9a: {  	s4 =	simm.s32 $_size__tile_overlayer_lowered;
	s5 =	simm.s32 $_tile_overlayer_lowered  }
0x9b: {  	s6 =	simm.s32 $0x1BFF;
	s21 =	sshll.u32 s5, $0x1;
	s3 =	sadd.s32 s20, s19  }
0x9c: {  	s22 =	simm.s32 $0x0;
	s4 =	sshll.u32 s4, $0x1;
	s5 =	sadd.s32 s21, s3  }
0x9d: {  	[timem:s22], [sflag:s6] =	dma.local [hbm:s5], s4  }
0x9e: {  	_ =	swait.ge [sflag:s6], s4  }
0x9f: {  	s4 =	ssub.s32 $0x0, s4;
	[sflag:s6] =	ssyncset.done $0x0  }
0xa0: {  	[sflag:s6] =	ssyncadd.s32 s4;
	_ =	sdelay $0x1  }
0xa1: {  	s23 =	simm.s32 $0x1B8B  }
0xa2: {  	_ =	swait.ge [sflag:s23], $0x1  }
0xa3: {  	[sflag:s23] =	ssyncset.done $0x0  }
0xa4: {  	[sflag:s23] =	ssyncadd.s32 $0xFFFFFFFF  }
0xa5: {  	s4 =	sld [smem:$0x0]  }
0xa6: {  	s5 =	sand.u32 $0xFFFFFFFE, s1  }
0xa7: {  	p0 =	sne.s32 s1, s5  }
0xa8: {  	s5 =	sshll.u32 @p0 s5, $0xE  }
0xa9: {  	s5 =	sadd.s32 @p0 $0x11B8D, s5;
	s6 =	sshll.u32 @p0 s4, $0x11  }
0xaa: {  	s5 =	sor.u32 @p0 s6, s5  }
0xab: {  	[sflag:s5] =	ssyncadd.remote.s32 @p0 $0x1;
	_ =	sdelay $0x1  }
0xac: {  	s5 =	simm.s32 @p0 $0x1B8D  }
0xad: {  	_ =	swait.eq @p0 [sflag:s5], $0x1  }
0xae: {  	[sflag:s5] =	ssyncadd.s32 @p0 $0xFFFFFFFF  }
0xaf: {  	s6 =	sshll.u32 @!p0 s1, $0xE  }
0xb0: {  	s6 =	sor.u32 @!p0 $0x4000, s6;
	s5 =	simm.s32 @!p0 $0x1B8D  }
0xb1: {  	s4 =	sshll.u32 @!p0 s4, $0x11;
	s6 =	sadd.s32 @!p0 $0x11B8D, s6;
	_ =	swait.eq @!p0 [sflag:s5], $0x1  }
0xb2: {  	s4 =	sor.u32 @!p0 s4, s6;
	[sflag:s5] =	ssyncadd.s32 @!p0 $0xFFFFFFFF  }
0xb3: {  	s25 =	simm.s32 $0x1B8E;
	s24 =	sld [smem:$0x3FFE];
	[sflag:s4] =	ssyncadd.remote.s32 @!p0 $0x1  }
0xb4: {  	s26 =	simm.s32 $execute0_lowered;
	[smem:$0x3FD2] =	sst s25  }
0xb5: {  	s5 =	sshll.u32 s26, $0x1;
	_ =	strace $0x80000049;
	[dreg:$0x1] =	wrdreg $0xFFFFFFFF  }
0xb6: {  	s28 =	simm.s32 $_size_execute0_lowered;
	s3 =	sadd.s32 s3, s5;
	[dreg:$0x0] =	wrdreg $0x0  }
0xb7: {  	s5 =	sshll.u32 s28, $0x1;
	[dreg:$0x2] =	wrdreg s3  }
0xb8: {  	[dreg:$0x3] =	wrdreg s5  }
0xb9: {  	[dreg:$0x4] =	wrdreg $0xC0  }
0xba: {  	_ =	task [dreg:s22], $0x5FFFF  }
0xbb: {  	[dreg:$0x1] =	wrdreg $0xFFFFFFFF  }
0xbc: {  	[dreg:$0x0] =	wrdreg $0x60  }
0xbd: {  	[dreg:$0x2] =	wrdreg s24  }
0xbe: {  	[dreg:$0x3] =	wrdreg $0x9  }
0xbf: {  	_ =	task.clear_ibuf [dreg:s22], $0x4FFFF;
	_ =	strace $0x90000049  }
0xc0: {  	s29 =	simm.s32 $0x9;
	_ =	strace $0x8000004B  }
0xc1: {  	_ =	swait.ge [sflag:s29], $0x1  }
0xc2: {  	[sflag:s29] =	ssyncadd.s32 $0xFFFFFFFF  }
0xc3: {  	_ =	strace $0x9000004B  }
0xc4: {  	_ =	sfence  }
0xc5: {  	s30 =	sld [smem:$0x0];
	_ =	sdelay $0x2  }
0xc6: {  	s31 =	sshll.u32 s1, $0xD;
	s1 =	sshrl.u32 s1, $0x2  }
0xc7: {  	s4 =	sand.u32 $0x4000, s31;
	s1 =	sadd.s32 s1, s30  }
0xc8: {  	s0 =	sor.u32 s4, s0;
	s1 =	sshll.u32 s1, $0x11  }
0xc9: {  	s0 =	sor.u32 s1, s0  }
0xca: {  	s0 =	sadd.s32 $0x8F2B, s0  }
0xcb: {  	[sflag:s0] =	ssyncadd.remote.s32 $0x1  }
0xcc: {  	_ =	sfence.sel $0xFFFF  }
0xcd: {  	[dreg:$0x0] =	wrdreg $0xFFFFFFFF;
	(pc) =	sbr.abs _section_cstart, $3  }
0xce: {  	[dreg:$0x1] =	wrdreg $0xFFFFFFFF  }
0xcf: {  	_ =	task.clear_ibuf [dreg:s22], $0x2FFFF;
	_ =	strace $0x9FFFFFFF  }
0xd0: {  	(tm) =	ssettm $0x7FFFFFFF  }
0xd1: {  	_ =	shalt  }
tec
execute0_lowered:
.L_overlay_start_1:
0x0: {  	(tag) =	ssettag $0x1  }
0x1: {  	s4 =	rddreg [dreg:$0x0]  }
0x2: {  	s0 =	rddreg [dreg:$0x1];
	s2 =	simm.s32 $0x0;
	s3 =	srdreg.scid  }
0x3: {  	s1 =	stileid.u32;
	s10 =	simm.s32 $0x0;
	[smem:$0x7FF] =	sst s2  }
0x4: {  	s5 =	sand.u32 $0x1, s3;
	s6 =	sshll.u32 s1, $0xD;
	s3 =	sadd.s32 $0x24C800, s4  }
0x5: {  	s8 =	sshll.u32 s1, $0x11;
	_ =	strace $0x8000004A;
	s7 =	sshll.u32 s5, $0xC  }
0x6: {  	s31 =	ssub.s32 $0x2, s5;
	s8 =	sadd.s32 s8, s4;
	s5 =	sshll.u32 s5, $0x10  }
0x7: {  	s6 =	sor.u32 s7, s6;
	s9 =	sshrl.u32 s31, $0x1;
	s5 =	sadd.s32 s5, s8  }
0x8: {  	s8 =	simm.s32 $0x80;
	s6 =	sshrl.u32 s6, $0x3;
	s7 =	ssub.s32 s31, s9  }
0x9: {  	s5 =	sadd.s32 $0x26C800, s5;
	s9 =	simm.s32 $0x1;
	s6 =	sadd.s32 s6, s4  }
0xa: {  	s4 =	smax.u32 s7, $0x1;
	s7 =	simm.s32 $0x2;
	s6 =	sadd.s32 $0x248800, s6  }
.LBB2_1:
0xb: {  	s11 =	sadd.s32 $0x0, s6  }
0xc: {  	[tilespmem:s2], [sflag:$0x2] =	stream.linear.gather [hbm4b:s11+s2], $0x80, $0x38;
	[tilespmem:$0x4080] =	vst v63  }
0xd: {  	_ =	swait.ge [sflag:s7], $0x80  }
0xe: {  	[sflag:s7] =	ssyncset.done $0x0  }
0xf: {  	[sflag:s7] =	ssyncadd.s32 $0xFFFFFF80  }
0x10: {  	[tilespmem:s8], [sflag:$0x1] =	stream.indirect.gather [hbm4b:s3+s8], $0x80, s2, s8, $0xb8;
	[tilespmem:$0x4080] =	vst v63  }
0x11: {  	_ =	swait.ge [sflag:s9], $0x4000  }
0x12: {  	[sflag:s9] =	ssyncset.done $0x0  }
0x13: {  	[sflag:s9] =	ssyncadd.s32 $0xFFFFC000  }
0x14: {  	[hbm4b:s5+s2] =	stream.linear.scatter [tilespmem:s8], [sflag:$0x2], $0x4000, $0x38;
	[tilespmem:$0x4080] =	vst v63  }
0x15: {  	s12 =	simm.s32 $0x10;
	_ =	swait.ge [sflag:s7], $0x4000  }
0x16: {  	s13 =	simm.s32 $0x20;
	s11 =	sadd.s32 $0x800, s5;
	[sflag:s7] =	ssyncset.done $0x0  }
.LBB2_2:
0x17: {  	s14 =	sadd.s32 s12, s6  }
0x18: {  	[sflag:s7] =	ssyncadd.s32 $0xFFFFC000;
	s12 =	smov.u32 s13;
	s15 =	sadd.s32 $0x10, s13  }
0x19: {  	[tilespmem:s2], [sflag:$0x2] =	stream.linear.gather [hbm4b:s14+s2], $0x80, $0x38;
	[tilespmem:$0x4080] =	vst v63  }
0x1a: {  	p0 =	sne.s32 s13, $0x1F0;
	_ =	swait.ge [sflag:s7], $0x80  }
0x1b: {  	[sflag:s7] =	ssyncset.done $0x0  }
0x1c: {  	[sflag:s7] =	ssyncadd.s32 $0xFFFFFF80  }
0x1d: {  	[tilespmem:s8], [sflag:$0x1] =	stream.indirect.gather [hbm4b:s3+s8], $0x80, s2, s8, $0xb8;
	[tilespmem:$0x4080] =	vst v63  }
0x1e: {  	_ =	swait.ge [sflag:s9], $0x4000  }
.Ltmp0:
0x1f: {  	[sflag:s9] =	ssyncset.done $0x0;
	(pc) =	sbr.rel @p0 .LBB2_2-.Ltmp0, $4  }
0x20: {  	[sflag:s9] =	ssyncadd.s32 $0xFFFFC000  }
0x21: {  	[hbm4b:s11+s2] =	stream.linear.scatter [tilespmem:s8], [sflag:$0x2], $0x4000, $0x38;
	[tilespmem:$0x4080] =	vst v63  }
0x22: {  	_ =	swait.ge [sflag:s7], $0x4000  }
0x23: {  	s13 =	smov.u32 s15;
	s11 =	sadd.s32 $0x800, s11;
	[sflag:s7] =	ssyncset.done $0x0  }
0x24: {  	s12 =	sadd.s32 s12, s6;
	[sflag:s7] =	ssyncadd.s32 $0xFFFFC000  }
0x25: {  	[tilespmem:s2], [sflag:$0x2] =	stream.linear.gather [hbm4b:s12+s2], $0x80, $0x38;
	[tilespmem:$0x4080] =	vst v63  }
0x26: {  	_ =	swait.ge [sflag:s7], $0x80  }
0x27: {  	[sflag:s7] =	ssyncset.done $0x0  }
0x28: {  	[sflag:s7] =	ssyncadd.s32 $0xFFFFFF80  }
0x29: {  	[tilespmem:s8], [sflag:$0x1] =	stream.indirect.gather [hbm4b:s3+s8], $0x80, s2, s8, $0xb8;
	[tilespmem:$0x4080] =	vst v63  }
0x2a: {  	s10 =	sadd.s32 $0x1, s10;
	_ =	swait.ge [sflag:s9], $0x4000  }
0x2b: {  	p0 =	sne.s32 s10, s4;
	[sflag:s9] =	ssyncset.done $0x0  }
.Ltmp1:
0x2c: {  	[sflag:s9] =	ssyncadd.s32 $0xFFFFC000;
	(pc) =	sbr.rel @p0 .LBB2_1-.Ltmp1, $4  }
0x2d: {  	[hbm4b:s11+s2] =	stream.linear.scatter [tilespmem:s8], [sflag:$0x2], $0x4000, $0x38;
	[tilespmem:$0x4080] =	vst v63  }
0x2e: {  	_ =	swait.ge [sflag:s7], $0x4000  }
0x2f: {  	[sflag:s7] =	ssyncset.done $0x0  }
0x30: {  	[sflag:s7] =	ssyncadd.s32 $0xFFFFC000  }
0x31: {  	_ =	sfence.sel $0x180000  }
0x32: {  	[bflag:$0x0] =	sbarrier.arrive $0xFFFF  }
0x33: {  	p0 =	sne.s32 s1, $0x0;
	_ =	strace $0x9000004A  }
0x34: {  	s0 =	sadd.s32 @!p0 $0x100000, s0;
	[bflag:$0x2] =	sbarrier.arrive $0xFFFF  }
0x35: {  	[sflag:s0] =	ssyncadd.tile.s32 @!p0 $0x1;
	_ =	shalt  }
.Lfunc_end2:
_tile_overlayer_lowered:
.L_overlay_start_2:
0x36: {  	(tag) =	ssettag $0x2  }
0x37: {  	s0 =	rddreg [dreg:$0x0];
	s2 =	stileid.u32  }
0x38: {  	s1 =	rddreg [dreg:$0x1];
	p0 =	sne.s32 s2, $0x0  }
0x39: {  	s3 =	rddreg [dreg:$0x2];
	[bflag:$0x3] =	sbarrier.arrive $0xFFFF;
	s2 =	simm.s32 @!p0 $0x1C02  }
0x3a: {  	[timem:s3], [sflag:s2] =	dma.local @!p0 [hbm:s0], s1  }
0x3b: {  	s0 =	simm.s32 @!p0 $0x2  }
0x3c: {  	_ =	swait.ge @!p0 [sflag:s0], s1  }
0x3d: {  	s1 =	ssub.s32 @!p0 $0x0, s1;
	[sflag:s0] =	ssyncset.done @!p0 $0x0  }
0x3e: {  	[sflag:s0] =	ssyncadd.s32 @!p0 s1  }
0x3f: {  	[bflag:$0x3] =	sbarrier.arrive $0xFFFF  }
0x40: {  	_ =	shalt  }

// kernel: kernel.32.cloned.1.call-start
scs
__scs_entry_jumppad:
0x0: {  	(pc) =	sbr.rel $0x88, $3  }
0x1: {  	(tag) =	ssettag $0x0;
	lr =	simm.s32 $0x1  }
0x2: {  	[smem:$0x3F98] =	sst lr;
	_ =	strace $0xD0000000  }
0x3: {  	_ = 	snop  }
0x4: {  	_ = 	snop  }
0x5: {  	_ = 	snop  }
0x6: {  	_ = 	snop  }
0x7: {  	_ = 	snop  }
__scs_overlays_trampoline_lowered:
0x8: {  	[smem:$0x3FA7] =	sst s0  }
0x9: {  	[smem:$0x3FA8] =	sst s1  }
0xa: {  	[smem:$0x3FA9] =	sst s2  }
0xb: {  	[smem:$0x3FAA] =	sst s3  }
0xc: {  	[smem:$0x3FAB] =	sst s4  }
0xd: {  	[smem:$0x3FAC] =	sst s5  }
0xe: {  	[smem:$0x3FAD] =	sst s6  }
0xf: {  	[smem:$0x3FAE] =	sst s7  }
0x10: {  	[smem:$0x3FAF] =	sst s8  }
0x11: {  	[smem:$0x3FB0] =	sst s9;
	s0 =	simm.s32 @!p0 $0x0  }
0x12: {  	s1 =	sld [smem:$0x3F96];
	s0 =	simm.s32 @p0 $0x1  }
0x13: {  	[smem:$0x3FB1] =	sst s0;
	s0 =	simm.s32 @!p1 $0x0  }
0x14: {  	s2 =	sld [smem:$0x3F95];
	s0 =	simm.s32 @p1 $0x1  }
0x15: {  	[smem:$0x3FB2] =	sst s0;
	s0 =	simm.s32 @!p2 $0x0  }
0x16: {  	s3 =	sld [smem:$0x3FDB];
	s0 =	simm.s32 @p2 $0x1  }
0x17: {  	s4 =	simm.s32 $0x1BF5;
	[smem:$0x3FB4] =	sst s0  }
0x18: {  	s0 =	sld [smem:$0x3F97];
	_ =	swait.ge [sflag:s4], $0x0  }
0x19: {  	s7 =	sld [smem:$0x3F98]  }
0x1a: {  	s8 =	sadd.s32 $0xFFFFE003, lr  }
0x1b: {  	s9 =	sadd.s32 $0xFFFFFEF7, lr;
	s5 =	simm.s32 $0xFFFFFFFF;
	p2 =	slt.u32 s8, $0xFFFFF086  }
0x1c: {  	p1 =	slt.u32 s9, $0xF7A;
	s5 =	simm.s32 @!p2 $0x0  }
0x1d: {  	s5 =	simm.s32 @p1 $0x1;
	p0 =	seq.s32 s7, s2  }
0x1e: {  	s7 =	smul.u32 @!p0 $0xF7A, s2;
	p2 =	seq.s32 @!p0 s5, $0x0  }
0x1f: {  	s9 =	smul.u32 $0xF7A, s1;
	s8 =	simm.s32 @!p0 $0x1BF5;
	p2 =	por !p2, p0  }
0x20: {  	[sflag:s8] =	ssyncset.s32 @!p0 $0xFFFFF086;
	s6 =	sadd.s32 @!p0 s3, s7;
	s7 =	simm.s32 @!p0 $0x108  }
0x21: {  	s3 =	sadd.s32 s3, s9;
	s6 =	sadd.s32 @!p0 $0x88, s6;
	s7 =	simm.s32 @p2 $0x1082  }
0x22: {  	[simem:s7], [sflag:s8] =	dma.local @!p0 [hbm:s6], $0xF7A  }
0x23: {  	s9 =	sor.u32 $0xD0000000, s2;
	s6 =	simm.s32 $0x108;
	_ =	swait.ge @!p0 [sflag:s8], $0x0  }
0x24: {  	s3 =	sadd.s32 $0x88, s3;
	s6 =	simm.s32 @!p1 $0x1082;
	[sflag:s4] =	ssyncset.s32 $0xFFFFF086  }
0x25: {  	[simem:s6], [sflag:s4] =	dma.local [hbm:s3], $0xF7A  }
0x26: {  	[smem:$0x3F98] =	sst s1;
	(tag) =	ssettag s2;
	_ =	strace s9  }
0x27: {  	s1 =	sld [smem:$0x3FA8]  }
0x28: {  	s2 =	sld [smem:$0x3FA9]  }
0x29: {  	s4 =	sld [smem:$0x3FAB]  }
0x2a: {  	p0 =	seq.s32 s5, $0x0;
	s5 =	sld [smem:$0x3FAC]  }
0x2b: {  	s6 =	sld [smem:$0x3FAD]  }
0x2c: {  	s7 =	sld [smem:$0x3FAE]  }
0x2d: {  	s3 =	simm.s32 $0x108;
	s8 =	sld [smem:$0x3FAF]  }
0x2e: {  	s3 =	simm.s32 @!p0 $0x1082;
	s9 =	sld [smem:$0x3FB0]  }
0x2f: {  	lr =	sadd.s32 s0, s3;
	s0 =	sld [smem:$0x3FA7]  }
0x30: {  	s3 =	sld [smem:$0x3FAA]  }
0x31: {  	[smem:$0x3FB3] =	sst s10  }
0x32: {  	s10 =	sld [smem:$0x3FB1];
	_ =	sdelay $0x3  }
0x33: {  	p0 =	seq.s32 s10, $0x1;
	s10 =	sld [smem:$0x3FB3];
	_ =	sdelay $0x3  }
0x34: {  	[smem:$0x3FB3] =	sst s10  }
0x35: {  	s10 =	sld [smem:$0x3FB2];
	_ =	sdelay $0x3  }
0x36: {  	p1 =	seq.s32 s10, $0x1;
	s10 =	sld [smem:$0x3FB3];
	_ =	sdelay $0x3  }
0x37: {  	[smem:$0x3FB3] =	sst s10  }
0x38: {  	s10 =	sld [smem:$0x3FB4]  }
0x39: {  	_ = 	snop;
	(pc) =	sbr.ind lr, $3  }
0x3a: {  	_ = 	snop  }
0x3b: {  	_ = 	snop  }
0x3c: {  	p2 =	seq.s32 s10, $0x1;
	s10 =	sld [smem:$0x3FB3]  }
0x3d: {  	_ =	shalt  }
0x3e: {  	_ =	shalt  }
0x3f: {  	_ =	shalt  }
0x40: {  	_ =	shalt  }
0x41: {  	_ =	shalt  }
0x42: {  	_ =	shalt  }
0x43: {  	_ =	shalt  }
0x44: {  	_ =	shalt  }
0x45: {  	_ =	shalt  }
0x46: {  	_ =	shalt  }
0x47: {  	_ =	shalt  }
0x48: {  	_ =	shalt  }
0x49: {  	_ =	shalt  }
0x4a: {  	_ =	shalt  }
0x4b: {  	_ =	shalt  }
0x4c: {  	_ =	shalt  }
0x4d: {  	_ =	shalt  }
0x4e: {  	_ =	shalt  }
0x4f: {  	_ =	shalt  }
0x50: {  	_ =	shalt  }
0x51: {  	_ =	shalt  }
0x52: {  	_ =	shalt  }
0x53: {  	_ =	shalt  }
0x54: {  	_ =	shalt  }
0x55: {  	_ =	shalt  }
0x56: {  	_ =	shalt  }
0x57: {  	_ =	shalt  }
0x58: {  	_ =	shalt  }
0x59: {  	_ =	shalt  }
0x5a: {  	_ =	shalt  }
0x5b: {  	_ =	shalt  }
0x5c: {  	_ =	shalt  }
0x5d: {  	_ =	shalt  }
0x5e: {  	_ =	shalt  }
0x5f: {  	_ =	shalt  }
0x60: {  	_ =	shalt  }
0x61: {  	_ =	shalt  }
0x62: {  	_ =	shalt  }
0x63: {  	_ =	shalt  }
0x64: {  	_ =	shalt  }
0x65: {  	_ =	shalt  }
0x66: {  	_ =	shalt  }
0x67: {  	_ =	shalt  }
0x68: {  	_ =	shalt  }
0x69: {  	_ =	shalt  }
0x6a: {  	_ =	shalt  }
0x6b: {  	_ =	shalt  }
0x6c: {  	_ =	shalt  }
0x6d: {  	_ =	shalt  }
0x6e: {  	_ =	shalt  }
0x6f: {  	_ =	shalt  }
0x70: {  	_ =	shalt  }
0x71: {  	_ =	shalt  }
0x72: {  	_ =	shalt  }
0x73: {  	_ =	shalt  }
0x74: {  	_ =	shalt  }
0x75: {  	_ =	shalt  }
0x76: {  	_ =	shalt  }
0x77: {  	_ =	shalt  }
0x78: {  	_ =	shalt  }
0x79: {  	_ =	shalt  }
0x7a: {  	_ =	shalt  }
0x7b: {  	_ =	shalt  }
0x7c: {  	_ =	shalt  }
0x7d: {  	_ =	shalt  }
0x7e: {  	_ =	shalt  }
0x7f: {  	_ =	shalt  }
0x80: {  	_ =	shalt  }
0x81: {  	_ =	shalt  }
0x82: {  	_ =	shalt  }
0x83: {  	_ =	shalt  }
0x84: {  	_ =	shalt  }
0x85: {  	_ =	shalt  }
0x86: {  	_ =	shalt  }
0x87: {  	_ =	shalt  }
.Lfunc_end0:
.L_simem_size_0:
called_computation.2_lowered:
.L_overlay_start_0:
0x88: {  	s2 =	sld [smem:$0x3FD9]  }
0x89: {  	s3 =	sld [smem:$0x3FFE];
	_ =	sdelay $0x1  }
0x8a: {  	s1 =	srdreg.scid  }
0x8b: {  	s0 =	sand.u32 $0x1, s1  }
0x8c: {  	s17 =	sshll.u32 s0, $0xA;
	s2 =	sadd.s32 s3, s2  }
0x8d: {  	s2 =	sadd.s32 s2, s17  }
0x8e: {  	[smem:$0x3FBF] =	sst s2  }
0x8f: {  	_ = 	snop  }
0x90: {  	(tm) =	ssettm $0x1  }
0x91: {  	s18 =	sld [smem:$0x3FFB];
	_ =	sdelay $0x3  }
0x92: {  	_ =	strace s18  }
0x93: {  	s2 =	sld [smem:$0x3FFC];
	_ =	sdelay $0x3  }
0x94: {  	_ =	strace s2  }
0x95: {  	s2 =	sld [smem:$0x3FFD];
	_ =	sdelay $0x3  }
0x96: {  	_ =	strace s2  }
0x97: {  	_ =	strace $0x8FFFFFFF  }
0x98: {  	s19 =	sld [smem:$0x3FDB];
	_ =	sdelay $0x1  }
0x99: {  	s20 =	simm.s32 $_scs_section_size  }
0x9a: {  	s4 =	simm.s32 $_size__tile_overlayer_lowered;
	s5 =	simm.s32 $_tile_overlayer_lowered  }
0x9b: {  	s6 =	simm.s32 $0x1BFF;
	s21 =	sshll.u32 s5, $0x1;
	s3 =	sadd.s32 s20, s19  }
0x9c: {  	s22 =	simm.s32 $0x0;
	s4 =	sshll.u32 s4, $0x1;
	s5 =	sadd.s32 s21, s3  }
0x9d: {  	[timem:s22], [sflag:s6] =	dma.local [hbm:s5], s4  }
0x9e: {  	_ =	swait.ge [sflag:s6], s4  }
0x9f: {  	s4 =	ssub.s32 $0x0, s4;
	[sflag:s6] =	ssyncset.done $0x0  }
0xa0: {  	[sflag:s6] =	ssyncadd.s32 s4;
	_ =	sdelay $0x1  }
0xa1: {  	s23 =	simm.s32 $0x1B8B  }
0xa2: {  	_ =	swait.ge [sflag:s23], $0x1  }
0xa3: {  	[sflag:s23] =	ssyncset.done $0x0  }
0xa4: {  	[sflag:s23] =	ssyncadd.s32 $0xFFFFFFFF  }
0xa5: {  	s4 =	sld [smem:$0x0]  }
0xa6: {  	s5 =	sand.u32 $0xFFFFFFFE, s1  }
0xa7: {  	p0 =	sne.s32 s1, s5  }
0xa8: {  	s5 =	sshll.u32 @p0 s5, $0xE  }
0xa9: {  	s5 =	sadd.s32 @p0 $0x11B8D, s5;
	s6 =	sshll.u32 @p0 s4, $0x11  }
0xaa: {  	s5 =	sor.u32 @p0 s6, s5  }
0xab: {  	[sflag:s5] =	ssyncadd.remote.s32 @p0 $0x1;
	_ =	sdelay $0x1  }
0xac: {  	s5 =	simm.s32 @p0 $0x1B8D  }
0xad: {  	_ =	swait.eq @p0 [sflag:s5], $0x1  }
0xae: {  	[sflag:s5] =	ssyncadd.s32 @p0 $0xFFFFFFFF  }
0xaf: {  	s6 =	sshll.u32 @!p0 s1, $0xE  }
0xb0: {  	s6 =	sor.u32 @!p0 $0x4000, s6;
	s5 =	simm.s32 @!p0 $0x1B8D  }
0xb1: {  	s4 =	sshll.u32 @!p0 s4, $0x11;
	s6 =	sadd.s32 @!p0 $0x11B8D, s6;
	_ =	swait.eq @!p0 [sflag:s5], $0x1  }
0xb2: {  	s4 =	sor.u32 @!p0 s4, s6;
	[sflag:s5] =	ssyncadd.s32 @!p0 $0xFFFFFFFF  }
0xb3: {  	s25 =	simm.s32 $0x1B8E;
	s24 =	sld [smem:$0x3FFE];
	[sflag:s4] =	ssyncadd.remote.s32 @!p0 $0x1  }
0xb4: {  	s26 =	simm.s32 $execute0_lowered;
	[smem:$0x3FD2] =	sst s25  }
0xb5: {  	s5 =	sshll.u32 s26, $0x1;
	_ =	strace $0x8000004C;
	[dreg:$0x1] =	wrdreg $0xFFFFFFFF  }
0xb6: {  	s28 =	simm.s32 $_size_execute0_lowered;
	s3 =	sadd.s32 s3, s5;
	[dreg:$0x0] =	wrdreg $0x0  }
0xb7: {  	s5 =	sshll.u32 s28, $0x1;
	[dreg:$0x2] =	wrdreg s3  }
0xb8: {  	[dreg:$0x3] =	wrdreg s5  }
0xb9: {  	[dreg:$0x4] =	wrdreg $0xC0  }
0xba: {  	_ =	task [dreg:s22], $0x5FFFF  }
0xbb: {  	[dreg:$0x1] =	wrdreg $0xFFFFFFFF  }
0xbc: {  	[dreg:$0x0] =	wrdreg $0x60  }
0xbd: {  	[dreg:$0x2] =	wrdreg s24  }
0xbe: {  	[dreg:$0x3] =	wrdreg $0xA  }
0xbf: {  	_ =	task.clear_ibuf [dreg:s22], $0x4FFFF;
	_ =	strace $0x9000004C  }
0xc0: {  	s29 =	simm.s32 $0xA;
	_ =	strace $0x8000004E  }
0xc1: {  	_ =	swait.ge [sflag:s29], $0x1  }
0xc2: {  	[sflag:s29] =	ssyncadd.s32 $0xFFFFFFFF  }
0xc3: {  	_ =	strace $0x9000004E  }
0xc4: {  	_ =	sfence  }
0xc5: {  	s30 =	sld [smem:$0x0];
	_ =	sdelay $0x2  }
0xc6: {  	s31 =	sshll.u32 s1, $0xD;
	s1 =	sshrl.u32 s1, $0x2  }
0xc7: {  	s4 =	sand.u32 $0x4000, s31;
	s1 =	sadd.s32 s1, s30  }
0xc8: {  	s0 =	sor.u32 s4, s0;
	s1 =	sshll.u32 s1, $0x11  }
0xc9: {  	s0 =	sor.u32 s1, s0  }
0xca: {  	s0 =	sadd.s32 $0x8F2B, s0  }
0xcb: {  	[sflag:s0] =	ssyncadd.remote.s32 $0x1  }
0xcc: {  	_ =	sfence.sel $0xFFFF  }
0xcd: {  	[dreg:$0x0] =	wrdreg $0xFFFFFFFF;
	(pc) =	sbr.abs _section_cstart, $3  }
0xce: {  	[dreg:$0x1] =	wrdreg $0xFFFFFFFF  }
0xcf: {  	_ =	task.clear_ibuf [dreg:s22], $0x2FFFF;
	_ =	strace $0x9FFFFFFF  }
0xd0: {  	(tm) =	ssettm $0x7FFFFFFF  }
0xd1: {  	_ =	shalt  }
tec
execute0_lowered:
.L_overlay_start_1:
0x0: {  	(tag) =	ssettag $0x1  }
0x1: {  	s4 =	rddreg [dreg:$0x0]  }
0x2: {  	s0 =	rddreg [dreg:$0x1];
	s2 =	simm.s32 $0x0;
	s3 =	srdreg.scid  }
0x3: {  	s1 =	stileid.u32;
	s10 =	simm.s32 $0x0;
	[smem:$0x7FF] =	sst s2  }
0x4: {  	s5 =	sand.u32 $0x1, s3;
	s6 =	sshll.u32 s1, $0xD;
	s3 =	sadd.s32 $0x48800, s4  }
0x5: {  	s8 =	sshll.u32 s1, $0x11;
	_ =	strace $0x8000004D;
	s7 =	sshll.u32 s5, $0xC  }
0x6: {  	s31 =	ssub.s32 $0x2, s5;
	s8 =	sadd.s32 s8, s4;
	s5 =	sshll.u32 s5, $0x10  }
0x7: {  	s6 =	sor.u32 s7, s6;
	s9 =	sshrl.u32 s31, $0x1;
	s5 =	sadd.s32 s5, s8  }
0x8: {  	s8 =	simm.s32 $0x80;
	s6 =	sshrl.u32 s6, $0x3;
	s7 =	ssub.s32 s31, s9  }
0x9: {  	s5 =	sadd.s32 $0x46C800, s5;
	s9 =	simm.s32 $0x1;
	s6 =	sadd.s32 s6, s4  }
0xa: {  	s4 =	smax.u32 s7, $0x1;
	s7 =	simm.s32 $0x2;
	s6 =	sadd.s32 $0x44800, s6  }
.LBB2_1:
0xb: {  	s11 =	sadd.s32 $0x0, s6  }
0xc: {  	[tilespmem:s2], [sflag:$0x2] =	stream.linear.gather [hbm4b:s11+s2], $0x80, $0x38;
	[tilespmem:$0x4080] =	vst v63  }
0xd: {  	_ =	swait.ge [sflag:s7], $0x80  }
0xe: {  	[sflag:s7] =	ssyncset.done $0x0  }
0xf: {  	[sflag:s7] =	ssyncadd.s32 $0xFFFFFF80  }
0x10: {  	[tilespmem:s8], [sflag:$0x1] =	stream.indirect.gather [hbm4b:s3+s8], $0x80, s2, s8, $0xb8;
	[tilespmem:$0x4080] =	vst v63  }
0x11: {  	_ =	swait.ge [sflag:s9], $0x4000  }
0x12: {  	[sflag:s9] =	ssyncset.done $0x0  }
0x13: {  	[sflag:s9] =	ssyncadd.s32 $0xFFFFC000  }
0x14: {  	[hbm4b:s5+s2] =	stream.linear.scatter [tilespmem:s8], [sflag:$0x2], $0x4000, $0x38;
	[tilespmem:$0x4080] =	vst v63  }
0x15: {  	s12 =	simm.s32 $0x10;
	_ =	swait.ge [sflag:s7], $0x4000  }
0x16: {  	s13 =	simm.s32 $0x20;
	s11 =	sadd.s32 $0x800, s5;
	[sflag:s7] =	ssyncset.done $0x0  }
.LBB2_2:
0x17: {  	s14 =	sadd.s32 s12, s6  }
0x18: {  	[sflag:s7] =	ssyncadd.s32 $0xFFFFC000;
	s12 =	smov.u32 s13;
	s15 =	sadd.s32 $0x10, s13  }
0x19: {  	[tilespmem:s2], [sflag:$0x2] =	stream.linear.gather [hbm4b:s14+s2], $0x80, $0x38;
	[tilespmem:$0x4080] =	vst v63  }
0x1a: {  	p0 =	sne.s32 s13, $0x1F0;
	_ =	swait.ge [sflag:s7], $0x80  }
0x1b: {  	[sflag:s7] =	ssyncset.done $0x0  }
0x1c: {  	[sflag:s7] =	ssyncadd.s32 $0xFFFFFF80  }
0x1d: {  	[tilespmem:s8], [sflag:$0x1] =	stream.indirect.gather [hbm4b:s3+s8], $0x80, s2, s8, $0xb8;
	[tilespmem:$0x4080] =	vst v63  }
0x1e: {  	_ =	swait.ge [sflag:s9], $0x4000  }
.Ltmp0:
0x1f: {  	[sflag:s9] =	ssyncset.done $0x0;
	(pc) =	sbr.rel @p0 .LBB2_2-.Ltmp0, $4  }
0x20: {  	[sflag:s9] =	ssyncadd.s32 $0xFFFFC000  }
0x21: {  	[hbm4b:s11+s2] =	stream.linear.scatter [tilespmem:s8], [sflag:$0x2], $0x4000, $0x38;
	[tilespmem:$0x4080] =	vst v63  }
0x22: {  	_ =	swait.ge [sflag:s7], $0x4000  }
0x23: {  	s13 =	smov.u32 s15;
	s11 =	sadd.s32 $0x800, s11;
	[sflag:s7] =	ssyncset.done $0x0  }
0x24: {  	s12 =	sadd.s32 s12, s6;
	[sflag:s7] =	ssyncadd.s32 $0xFFFFC000  }
0x25: {  	[tilespmem:s2], [sflag:$0x2] =	stream.linear.gather [hbm4b:s12+s2], $0x80, $0x38;
	[tilespmem:$0x4080] =	vst v63  }
0x26: {  	_ =	swait.ge [sflag:s7], $0x80  }
0x27: {  	[sflag:s7] =	ssyncset.done $0x0  }
0x28: {  	[sflag:s7] =	ssyncadd.s32 $0xFFFFFF80  }
0x29: {  	[tilespmem:s8], [sflag:$0x1] =	stream.indirect.gather [hbm4b:s3+s8], $0x80, s2, s8, $0xb8;
	[tilespmem:$0x4080] =	vst v63  }
0x2a: {  	s10 =	sadd.s32 $0x1, s10;
	_ =	swait.ge [sflag:s9], $0x4000  }
0x2b: {  	p0 =	sne.s32 s10, s4;
	[sflag:s9] =	ssyncset.done $0x0  }
.Ltmp1:
0x2c: {  	[sflag:s9] =	ssyncadd.s32 $0xFFFFC000;
	(pc) =	sbr.rel @p0 .LBB2_1-.Ltmp1, $4  }
0x2d: {  	[hbm4b:s11+s2] =	stream.linear.scatter [tilespmem:s8], [sflag:$0x2], $0x4000, $0x38;
	[tilespmem:$0x4080] =	vst v63  }
0x2e: {  	_ =	swait.ge [sflag:s7], $0x4000  }
0x2f: {  	[sflag:s7] =	ssyncset.done $0x0  }
0x30: {  	[sflag:s7] =	ssyncadd.s32 $0xFFFFC000  }
0x31: {  	_ =	sfence.sel $0x180000  }
0x32: {  	[bflag:$0x0] =	sbarrier.arrive $0xFFFF  }
0x33: {  	p0 =	sne.s32 s1, $0x0;
	_ =	strace $0x9000004D  }
0x34: {  	s0 =	sadd.s32 @!p0 $0x100000, s0;
	[bflag:$0x2] =	sbarrier.arrive $0xFFFF  }
0x35: {  	[sflag:s0] =	ssyncadd.tile.s32 @!p0 $0x1;
	_ =	shalt  }
.Lfunc_end2:
_tile_overlayer_lowered:
.L_overlay_start_2:
0x36: {  	(tag) =	ssettag $0x2  }
0x37: {  	s0 =	rddreg [dreg:$0x0];
	s2 =	stileid.u32  }
0x38: {  	s1 =	rddreg [dreg:$0x1];
	p0 =	sne.s32 s2, $0x0  }
0x39: {  	s3 =	rddreg [dreg:$0x2];
	[bflag:$0x3] =	sbarrier.arrive $0xFFFF;
	s2 =	simm.s32 @!p0 $0x1C02  }
0x3a: {  	[timem:s3], [sflag:s2] =	dma.local @!p0 [hbm:s0], s1  }
0x3b: {  	s0 =	simm.s32 @!p0 $0x2  }
0x3c: {  	_ =	swait.ge @!p0 [sflag:s0], s1  }
0x3d: {  	s1 =	ssub.s32 @!p0 $0x0, s1;
	[sflag:s0] =	ssyncset.done @!p0 $0x0  }
0x3e: {  	[sflag:s0] =	ssyncadd.s32 @!p0 s1  }
0x3f: {  	[bflag:$0x3] =	sbarrier.arrive $0xFFFF  }
0x40: {  	_ =	shalt  }

// kernel: kernel.35.cloned.1.call-start
scs
__scs_entry_jumppad:
0x0: {  	(pc) =	sbr.rel $0x88, $3  }
0x1: {  	(tag) =	ssettag $0x0;
	lr =	simm.s32 $0x1  }
0x2: {  	[smem:$0x3F98] =	sst lr;
	_ =	strace $0xD0000000  }
0x3: {  	_ = 	snop  }
0x4: {  	_ = 	snop  }
0x5: {  	_ = 	snop  }
0x6: {  	_ = 	snop  }
0x7: {  	_ = 	snop  }
__scs_overlays_trampoline_lowered:
0x8: {  	[smem:$0x3FA7] =	sst s0  }
0x9: {  	[smem:$0x3FA8] =	sst s1  }
0xa: {  	[smem:$0x3FA9] =	sst s2  }
0xb: {  	[smem:$0x3FAA] =	sst s3  }
0xc: {  	[smem:$0x3FAB] =	sst s4  }
0xd: {  	[smem:$0x3FAC] =	sst s5  }
0xe: {  	[smem:$0x3FAD] =	sst s6  }
0xf: {  	[smem:$0x3FAE] =	sst s7  }
0x10: {  	[smem:$0x3FAF] =	sst s8  }
0x11: {  	[smem:$0x3FB0] =	sst s9;
	s0 =	simm.s32 @!p0 $0x0  }
0x12: {  	s1 =	sld [smem:$0x3F96];
	s0 =	simm.s32 @p0 $0x1  }
0x13: {  	[smem:$0x3FB1] =	sst s0;
	s0 =	simm.s32 @!p1 $0x0  }
0x14: {  	s2 =	sld [smem:$0x3F95];
	s0 =	simm.s32 @p1 $0x1  }
0x15: {  	[smem:$0x3FB2] =	sst s0;
	s0 =	simm.s32 @!p2 $0x0  }
0x16: {  	s3 =	sld [smem:$0x3FDB];
	s0 =	simm.s32 @p2 $0x1  }
0x17: {  	s4 =	simm.s32 $0x1BF5;
	[smem:$0x3FB4] =	sst s0  }
0x18: {  	s0 =	sld [smem:$0x3F97];
	_ =	swait.ge [sflag:s4], $0x0  }
0x19: {  	s7 =	sld [smem:$0x3F98]  }
0x1a: {  	s8 =	sadd.s32 $0xFFFFE003, lr  }
0x1b: {  	s9 =	sadd.s32 $0xFFFFFEF7, lr;
	s5 =	simm.s32 $0xFFFFFFFF;
	p2 =	slt.u32 s8, $0xFFFFF086  }
0x1c: {  	p1 =	slt.u32 s9, $0xF7A;
	s5 =	simm.s32 @!p2 $0x0  }
0x1d: {  	s5 =	simm.s32 @p1 $0x1;
	p0 =	seq.s32 s7, s2  }
0x1e: {  	s7 =	smul.u32 @!p0 $0xF7A, s2;
	p2 =	seq.s32 @!p0 s5, $0x0  }
0x1f: {  	s9 =	smul.u32 $0xF7A, s1;
	s8 =	simm.s32 @!p0 $0x1BF5;
	p2 =	por !p2, p0  }
0x20: {  	[sflag:s8] =	ssyncset.s32 @!p0 $0xFFFFF086;
	s6 =	sadd.s32 @!p0 s3, s7;
	s7 =	simm.s32 @!p0 $0x108  }
0x21: {  	s3 =	sadd.s32 s3, s9;
	s6 =	sadd.s32 @!p0 $0x88, s6;
	s7 =	simm.s32 @p2 $0x1082  }
0x22: {  	[simem:s7], [sflag:s8] =	dma.local @!p0 [hbm:s6], $0xF7A  }
0x23: {  	s9 =	sor.u32 $0xD0000000, s2;
	s6 =	simm.s32 $0x108;
	_ =	swait.ge @!p0 [sflag:s8], $0x0  }
0x24: {  	s3 =	sadd.s32 $0x88, s3;
	s6 =	simm.s32 @!p1 $0x1082;
	[sflag:s4] =	ssyncset.s32 $0xFFFFF086  }
0x25: {  	[simem:s6], [sflag:s4] =	dma.local [hbm:s3], $0xF7A  }
0x26: {  	[smem:$0x3F98] =	sst s1;
	(tag) =	ssettag s2;
	_ =	strace s9  }
0x27: {  	s1 =	sld [smem:$0x3FA8]  }
0x28: {  	s2 =	sld [smem:$0x3FA9]  }
0x29: {  	s4 =	sld [smem:$0x3FAB]  }
0x2a: {  	p0 =	seq.s32 s5, $0x0;
	s5 =	sld [smem:$0x3FAC]  }
0x2b: {  	s6 =	sld [smem:$0x3FAD]  }
0x2c: {  	s7 =	sld [smem:$0x3FAE]  }
0x2d: {  	s3 =	simm.s32 $0x108;
	s8 =	sld [smem:$0x3FAF]  }
0x2e: {  	s3 =	simm.s32 @!p0 $0x1082;
	s9 =	sld [smem:$0x3FB0]  }
0x2f: {  	lr =	sadd.s32 s0, s3;
	s0 =	sld [smem:$0x3FA7]  }
0x30: {  	s3 =	sld [smem:$0x3FAA]  }
0x31: {  	[smem:$0x3FB3] =	sst s10  }
0x32: {  	s10 =	sld [smem:$0x3FB1];
	_ =	sdelay $0x3  }
0x33: {  	p0 =	seq.s32 s10, $0x1;
	s10 =	sld [smem:$0x3FB3];
	_ =	sdelay $0x3  }
0x34: {  	[smem:$0x3FB3] =	sst s10  }
0x35: {  	s10 =	sld [smem:$0x3FB2];
	_ =	sdelay $0x3  }
0x36: {  	p1 =	seq.s32 s10, $0x1;
	s10 =	sld [smem:$0x3FB3];
	_ =	sdelay $0x3  }
0x37: {  	[smem:$0x3FB3] =	sst s10  }
0x38: {  	s10 =	sld [smem:$0x3FB4]  }
0x39: {  	_ = 	snop;
	(pc) =	sbr.ind lr, $3  }
0x3a: {  	_ = 	snop  }
0x3b: {  	_ = 	snop  }
0x3c: {  	p2 =	seq.s32 s10, $0x1;
	s10 =	sld [smem:$0x3FB3]  }
0x3d: {  	_ =	shalt  }
0x3e: {  	_ =	shalt  }
0x3f: {  	_ =	shalt  }
0x40: {  	_ =	shalt  }
0x41: {  	_ =	shalt  }
0x42: {  	_ =	shalt  }
0x43: {  	_ =	shalt  }
0x44: {  	_ =	shalt  }
0x45: {  	_ =	shalt  }
0x46: {  	_ =	shalt  }
0x47: {  	_ =	shalt  }
0x48: {  	_ =	shalt  }
0x49: {  	_ =	shalt  }
0x4a: {  	_ =	shalt  }
0x4b: {  	_ =	shalt  }
0x4c: {  	_ =	shalt  }
0x4d: {  	_ =	shalt  }
0x4e: {  	_ =	shalt  }
0x4f: {  	_ =	shalt  }
0x50: {  	_ =	shalt  }
0x51: {  	_ =	shalt  }
0x52: {  	_ =	shalt  }
0x53: {  	_ =	shalt  }
0x54: {  	_ =	shalt  }
0x55: {  	_ =	shalt  }
0x56: {  	_ =	shalt  }
0x57: {  	_ =	shalt  }
0x58: {  	_ =	shalt  }
0x59: {  	_ =	shalt  }
0x5a: {  	_ =	shalt  }
0x5b: {  	_ =	shalt  }
0x5c: {  	_ =	shalt  }
0x5d: {  	_ =	shalt  }
0x5e: {  	_ =	shalt  }
0x5f: {  	_ =	shalt  }
0x60: {  	_ =	shalt  }
0x61: {  	_ =	shalt  }
0x62: {  	_ =	shalt  }
0x63: {  	_ =	shalt  }
0x64: {  	_ =	shalt  }
0x65: {  	_ =	shalt  }
0x66: {  	_ =	shalt  }
0x67: {  	_ =	shalt  }
0x68: {  	_ =	shalt  }
0x69: {  	_ =	shalt  }
0x6a: {  	_ =	shalt  }
0x6b: {  	_ =	shalt  }
0x6c: {  	_ =	shalt  }
0x6d: {  	_ =	shalt  }
0x6e: {  	_ =	shalt  }
0x6f: {  	_ =	shalt  }
0x70: {  	_ =	shalt  }
0x71: {  	_ =	shalt  }
0x72: {  	_ =	shalt  }
0x73: {  	_ =	shalt  }
0x74: {  	_ =	shalt  }
0x75: {  	_ =	shalt  }
0x76: {  	_ =	shalt  }
0x77: {  	_ =	shalt  }
0x78: {  	_ =	shalt  }
0x79: {  	_ =	shalt  }
0x7a: {  	_ =	shalt  }
0x7b: {  	_ =	shalt  }
0x7c: {  	_ =	shalt  }
0x7d: {  	_ =	shalt  }
0x7e: {  	_ =	shalt  }
0x7f: {  	_ =	shalt  }
0x80: {  	_ =	shalt  }
0x81: {  	_ =	shalt  }
0x82: {  	_ =	shalt  }
0x83: {  	_ =	shalt  }
0x84: {  	_ =	shalt  }
0x85: {  	_ =	shalt  }
0x86: {  	_ =	shalt  }
0x87: {  	_ =	shalt  }
.Lfunc_end0:
.L_simem_size_0:
called_computation.3_lowered:
.L_overlay_start_0:
0x88: {  	s2 =	sld [smem:$0x3FD9]  }
0x89: {  	s3 =	sld [smem:$0x3FFE];
	_ =	sdelay $0x1  }
0x8a: {  	s1 =	srdreg.scid  }
0x8b: {  	s0 =	sand.u32 $0x1, s1  }
0x8c: {  	s17 =	sshll.u32 s0, $0xA;
	s2 =	sadd.s32 s3, s2  }
0x8d: {  	s2 =	sadd.s32 s2, s17  }
0x8e: {  	[smem:$0x3FBF] =	sst s2  }
0x8f: {  	_ = 	snop  }
0x90: {  	(tm) =	ssettm $0x1  }
0x91: {  	s18 =	sld [smem:$0x3FFB];
	_ =	sdelay $0x3  }
0x92: {  	_ =	strace s18  }
0x93: {  	s2 =	sld [smem:$0x3FFC];
	_ =	sdelay $0x3  }
0x94: {  	_ =	strace s2  }
0x95: {  	s2 =	sld [smem:$0x3FFD];
	_ =	sdelay $0x3  }
0x96: {  	_ =	strace s2  }
0x97: {  	_ =	strace $0x8FFFFFFF  }
0x98: {  	s19 =	sld [smem:$0x3FDB];
	_ =	sdelay $0x1  }
0x99: {  	s20 =	simm.s32 $_scs_section_size  }
0x9a: {  	s4 =	simm.s32 $_size__tile_overlayer_lowered;
	s5 =	simm.s32 $_tile_overlayer_lowered  }
0x9b: {  	s6 =	simm.s32 $0x1BFF;
	s21 =	sshll.u32 s5, $0x1;
	s3 =	sadd.s32 s20, s19  }
0x9c: {  	s22 =	simm.s32 $0x0;
	s4 =	sshll.u32 s4, $0x1;
	s5 =	sadd.s32 s21, s3  }
0x9d: {  	[timem:s22], [sflag:s6] =	dma.local [hbm:s5], s4  }
0x9e: {  	_ =	swait.ge [sflag:s6], s4  }
0x9f: {  	s4 =	ssub.s32 $0x0, s4;
	[sflag:s6] =	ssyncset.done $0x0  }
0xa0: {  	[sflag:s6] =	ssyncadd.s32 s4;
	_ =	sdelay $0x1  }
0xa1: {  	s23 =	simm.s32 $0x1B8B  }
0xa2: {  	_ =	swait.ge [sflag:s23], $0x1  }
0xa3: {  	[sflag:s23] =	ssyncset.done $0x0  }
0xa4: {  	[sflag:s23] =	ssyncadd.s32 $0xFFFFFFFF  }
0xa5: {  	s4 =	sld [smem:$0x0]  }
0xa6: {  	s5 =	sand.u32 $0xFFFFFFFE, s1  }
0xa7: {  	p0 =	sne.s32 s1, s5  }
0xa8: {  	s5 =	sshll.u32 @p0 s5, $0xE  }
0xa9: {  	s5 =	sadd.s32 @p0 $0x11B8D, s5;
	s6 =	sshll.u32 @p0 s4, $0x11  }
0xaa: {  	s5 =	sor.u32 @p0 s6, s5  }
0xab: {  	[sflag:s5] =	ssyncadd.remote.s32 @p0 $0x1;
	_ =	sdelay $0x1  }
0xac: {  	s5 =	simm.s32 @p0 $0x1B8D  }
0xad: {  	_ =	swait.eq @p0 [sflag:s5], $0x1  }
0xae: {  	[sflag:s5] =	ssyncadd.s32 @p0 $0xFFFFFFFF  }
0xaf: {  	s6 =	sshll.u32 @!p0 s1, $0xE  }
0xb0: {  	s6 =	sor.u32 @!p0 $0x4000, s6;
	s5 =	simm.s32 @!p0 $0x1B8D  }
0xb1: {  	s4 =	sshll.u32 @!p0 s4, $0x11;
	s6 =	sadd.s32 @!p0 $0x11B8D, s6;
	_ =	swait.eq @!p0 [sflag:s5], $0x1  }
0xb2: {  	s4 =	sor.u32 @!p0 s4, s6;
	[sflag:s5] =	ssyncadd.s32 @!p0 $0xFFFFFFFF  }
0xb3: {  	s25 =	simm.s32 $0x1B8E;
	s24 =	sld [smem:$0x3FFE];
	[sflag:s4] =	ssyncadd.remote.s32 @!p0 $0x1  }
0xb4: {  	s26 =	simm.s32 $execute0_lowered;
	[smem:$0x3FD2] =	sst s25  }
0xb5: {  	s5 =	sshll.u32 s26, $0x1;
	_ =	strace $0x8000004F;
	[dreg:$0x1] =	wrdreg $0xFFFFFFFF  }
0xb6: {  	s28 =	simm.s32 $_size_execute0_lowered;
	s3 =	sadd.s32 s3, s5;
	[dreg:$0x0] =	wrdreg $0x0  }
0xb7: {  	s5 =	sshll.u32 s28, $0x1;
	[dreg:$0x2] =	wrdreg s3  }
0xb8: {  	[dreg:$0x3] =	wrdreg s5  }
0xb9: {  	[dreg:$0x4] =	wrdreg $0xC0  }
0xba: {  	_ =	task [dreg:s22], $0x5FFFF  }
0xbb: {  	[dreg:$0x1] =	wrdreg $0xFFFFFFFF  }
0xbc: {  	[dreg:$0x0] =	wrdreg $0x60  }
0xbd: {  	[dreg:$0x2] =	wrdreg s24  }
0xbe: {  	[dreg:$0x3] =	wrdreg $0x9  }
0xbf: {  	_ =	task.clear_ibuf [dreg:s22], $0x4FFFF;
	_ =	strace $0x9000004F  }
0xc0: {  	s29 =	simm.s32 $0x9;
	_ =	strace $0x80000051  }
0xc1: {  	_ =	swait.ge [sflag:s29], $0x1  }
0xc2: {  	[sflag:s29] =	ssyncadd.s32 $0xFFFFFFFF  }
0xc3: {  	_ =	strace $0x90000051  }
0xc4: {  	_ =	sfence  }
0xc5: {  	s30 =	sld [smem:$0x0];
	_ =	sdelay $0x2  }
0xc6: {  	s31 =	sshll.u32 s1, $0xD;
	s1 =	sshrl.u32 s1, $0x2  }
0xc7: {  	s4 =	sand.u32 $0x4000, s31;
	s1 =	sadd.s32 s1, s30  }
0xc8: {  	s0 =	sor.u32 s4, s0;
	s1 =	sshll.u32 s1, $0x11  }
0xc9: {  	s0 =	sor.u32 s1, s0  }
0xca: {  	s0 =	sadd.s32 $0x8F2B, s0  }
0xcb: {  	[sflag:s0] =	ssyncadd.remote.s32 $0x1  }
0xcc: {  	_ =	sfence.sel $0xFFFF  }
0xcd: {  	[dreg:$0x0] =	wrdreg $0xFFFFFFFF;
	(pc) =	sbr.abs _section_cstart, $3  }
0xce: {  	[dreg:$0x1] =	wrdreg $0xFFFFFFFF  }
0xcf: {  	_ =	task.clear_ibuf [dreg:s22], $0x2FFFF;
	_ =	strace $0x9FFFFFFF  }
0xd0: {  	(tm) =	ssettm $0x7FFFFFFF  }
0xd1: {  	_ =	shalt  }
tec
execute0_lowered:
.L_overlay_start_1:
0x0: {  	(tag) =	ssettag $0x1  }
0x1: {  	s4 =	rddreg [dreg:$0x0]  }
0x2: {  	s0 =	rddreg [dreg:$0x1];
	s2 =	simm.s32 $0x0;
	s3 =	srdreg.scid  }
0x3: {  	s1 =	stileid.u32;
	s10 =	simm.s32 $0x0;
	[smem:$0x7FF] =	sst s2  }
0x4: {  	s5 =	sand.u32 $0x1, s3;
	s6 =	sshll.u32 s1, $0xD;
	s3 =	sadd.s32 $0x8C800, s4  }
0x5: {  	s8 =	sshll.u32 s1, $0x11;
	_ =	strace $0x80000050;
	s7 =	sshll.u32 s5, $0xC  }
0x6: {  	s31 =	ssub.s32 $0x2, s5;
	s8 =	sadd.s32 s8, s4;
	s5 =	sshll.u32 s5, $0x10  }
0x7: {  	s6 =	sor.u32 s7, s6;
	s9 =	sshrl.u32 s31, $0x1;
	s5 =	sadd.s32 s5, s8  }
0x8: {  	s8 =	simm.s32 $0x80;
	s6 =	sshrl.u32 s6, $0x3;
	s7 =	ssub.s32 s31, s9  }
0x9: {  	s5 =	sadd.s32 $0xAC800, s5;
	s9 =	simm.s32 $0x1;
	s6 =	sadd.s32 s6, s4  }
0xa: {  	s4 =	smax.u32 s7, $0x1;
	s7 =	simm.s32 $0x2;
	s6 =	sadd.s32 $0x88800, s6  }
.LBB2_1:
0xb: {  	s11 =	sadd.s32 $0x0, s6  }
0xc: {  	[tilespmem:s2], [sflag:$0x2] =	stream.linear.gather [hbm4b:s11+s2], $0x80, $0x38;
	[tilespmem:$0x4080] =	vst v63  }
0xd: {  	_ =	swait.ge [sflag:s7], $0x80  }
0xe: {  	[sflag:s7] =	ssyncset.done $0x0  }
0xf: {  	[sflag:s7] =	ssyncadd.s32 $0xFFFFFF80  }
0x10: {  	[tilespmem:s8], [sflag:$0x1] =	stream.indirect.gather [hbm4b:s3+s8], $0x80, s2, s8, $0xb8;
	[tilespmem:$0x4080] =	vst v63  }
0x11: {  	_ =	swait.ge [sflag:s9], $0x4000  }
0x12: {  	[sflag:s9] =	ssyncset.done $0x0  }
0x13: {  	[sflag:s9] =	ssyncadd.s32 $0xFFFFC000  }
0x14: {  	[hbm4b:s5+s2] =	stream.linear.scatter [tilespmem:s8], [sflag:$0x2], $0x4000, $0x38;
	[tilespmem:$0x4080] =	vst v63  }
0x15: {  	s12 =	simm.s32 $0x10;
	_ =	swait.ge [sflag:s7], $0x4000  }
0x16: {  	s13 =	simm.s32 $0x20;
	s11 =	sadd.s32 $0x800, s5;
	[sflag:s7] =	ssyncset.done $0x0  }
.LBB2_2:
0x17: {  	s14 =	sadd.s32 s12, s6  }
0x18: {  	[sflag:s7] =	ssyncadd.s32 $0xFFFFC000;
	s12 =	smov.u32 s13;
	s15 =	sadd.s32 $0x10, s13  }
0x19: {  	[tilespmem:s2], [sflag:$0x2] =	stream.linear.gather [hbm4b:s14+s2], $0x80, $0x38;
	[tilespmem:$0x4080] =	vst v63  }
0x1a: {  	p0 =	sne.s32 s13, $0x1F0;
	_ =	swait.ge [sflag:s7], $0x80  }
0x1b: {  	[sflag:s7] =	ssyncset.done $0x0  }
0x1c: {  	[sflag:s7] =	ssyncadd.s32 $0xFFFFFF80  }
0x1d: {  	[tilespmem:s8], [sflag:$0x1] =	stream.indirect.gather [hbm4b:s3+s8], $0x80, s2, s8, $0xb8;
	[tilespmem:$0x4080] =	vst v63  }
0x1e: {  	_ =	swait.ge [sflag:s9], $0x4000  }
.Ltmp0:
0x1f: {  	[sflag:s9] =	ssyncset.done $0x0;
	(pc) =	sbr.rel @p0 .LBB2_2-.Ltmp0, $4  }
0x20: {  	[sflag:s9] =	ssyncadd.s32 $0xFFFFC000  }
0x21: {  	[hbm4b:s11+s2] =	stream.linear.scatter [tilespmem:s8], [sflag:$0x2], $0x4000, $0x38;
	[tilespmem:$0x4080] =	vst v63  }
0x22: {  	_ =	swait.ge [sflag:s7], $0x4000  }
0x23: {  	s13 =	smov.u32 s15;
	s11 =	sadd.s32 $0x800, s11;
	[sflag:s7] =	ssyncset.done $0x0  }
0x24: {  	s12 =	sadd.s32 s12, s6;
	[sflag:s7] =	ssyncadd.s32 $0xFFFFC000  }
0x25: {  	[tilespmem:s2], [sflag:$0x2] =	stream.linear.gather [hbm4b:s12+s2], $0x80, $0x38;
	[tilespmem:$0x4080] =	vst v63  }
0x26: {  	_ =	swait.ge [sflag:s7], $0x80  }
0x27: {  	[sflag:s7] =	ssyncset.done $0x0  }
0x28: {  	[sflag:s7] =	ssyncadd.s32 $0xFFFFFF80  }
0x29: {  	[tilespmem:s8], [sflag:$0x1] =	stream.indirect.gather [hbm4b:s3+s8], $0x80, s2, s8, $0xb8;
	[tilespmem:$0x4080] =	vst v63  }
0x2a: {  	s10 =	sadd.s32 $0x1, s10;
	_ =	swait.ge [sflag:s9], $0x4000  }
0x2b: {  	p0 =	sne.s32 s10, s4;
	[sflag:s9] =	ssyncset.done $0x0  }
.Ltmp1:
0x2c: {  	[sflag:s9] =	ssyncadd.s32 $0xFFFFC000;
	(pc) =	sbr.rel @p0 .LBB2_1-.Ltmp1, $4  }
0x2d: {  	[hbm4b:s11+s2] =	stream.linear.scatter [tilespmem:s8], [sflag:$0x2], $0x4000, $0x38;
	[tilespmem:$0x4080] =	vst v63  }
0x2e: {  	_ =	swait.ge [sflag:s7], $0x4000  }
0x2f: {  	[sflag:s7] =	ssyncset.done $0x0  }
0x30: {  	[sflag:s7] =	ssyncadd.s32 $0xFFFFC000  }
0x31: {  	_ =	sfence.sel $0x180000  }
0x32: {  	[bflag:$0x0] =	sbarrier.arrive $0xFFFF  }
0x33: {  	p0 =	sne.s32 s1, $0x0;
	_ =	strace $0x90000050  }
0x34: {  	s0 =	sadd.s32 @!p0 $0x100000, s0;
	[bflag:$0x2] =	sbarrier.arrive $0xFFFF  }
0x35: {  	[sflag:s0] =	ssyncadd.tile.s32 @!p0 $0x1;
	_ =	shalt  }
.Lfunc_end2:
_tile_overlayer_lowered:
.L_overlay_start_2:
0x36: {  	(tag) =	ssettag $0x2  }
0x37: {  	s0 =	rddreg [dreg:$0x0];
	s2 =	stileid.u32  }
0x38: {  	s1 =	rddreg [dreg:$0x1];
	p0 =	sne.s32 s2, $0x0  }
0x39: {  	s3 =	rddreg [dreg:$0x2];
	[bflag:$0x3] =	sbarrier.arrive $0xFFFF;
	s2 =	simm.s32 @!p0 $0x1C02  }
0x3a: {  	[timem:s3], [sflag:s2] =	dma.local @!p0 [hbm:s0], s1  }
0x3b: {  	s0 =	simm.s32 @!p0 $0x2  }
0x3c: {  	_ =	swait.ge @!p0 [sflag:s0], s1  }
0x3d: {  	s1 =	ssub.s32 @!p0 $0x0, s1;
	[sflag:s0] =	ssyncset.done @!p0 $0x0  }
0x3e: {  	[sflag:s0] =	ssyncadd.s32 @!p0 s1  }
0x3f: {  	[bflag:$0x3] =	sbarrier.arrive $0xFFFF  }
0x40: {  	_ =	shalt  }

// kernel: kernel.38.cloned.1.call-start
scs
__scs_entry_jumppad:
0x0: {  	(pc) =	sbr.rel $0x88, $3  }
0x1: {  	(tag) =	ssettag $0x0;
	lr =	simm.s32 $0x1  }
0x2: {  	[smem:$0x3F98] =	sst lr;
	_ =	strace $0xD0000000  }
0x3: {  	_ = 	snop  }
0x4: {  	_ = 	snop  }
0x5: {  	_ = 	snop  }
0x6: {  	_ = 	snop  }
0x7: {  	_ = 	snop  }
__scs_overlays_trampoline_lowered:
0x8: {  	[smem:$0x3FA7] =	sst s0  }
0x9: {  	[smem:$0x3FA8] =	sst s1  }
0xa: {  	[smem:$0x3FA9] =	sst s2  }
0xb: {  	[smem:$0x3FAA] =	sst s3  }
0xc: {  	[smem:$0x3FAB] =	sst s4  }
0xd: {  	[smem:$0x3FAC] =	sst s5  }
0xe: {  	[smem:$0x3FAD] =	sst s6  }
0xf: {  	[smem:$0x3FAE] =	sst s7  }
0x10: {  	[smem:$0x3FAF] =	sst s8  }
0x11: {  	[smem:$0x3FB0] =	sst s9;
	s0 =	simm.s32 @!p0 $0x0  }
0x12: {  	s1 =	sld [smem:$0x3F96];
	s0 =	simm.s32 @p0 $0x1  }
0x13: {  	[smem:$0x3FB1] =	sst s0;
	s0 =	simm.s32 @!p1 $0x0  }
0x14: {  	s2 =	sld [smem:$0x3F95];
	s0 =	simm.s32 @p1 $0x1  }
0x15: {  	[smem:$0x3FB2] =	sst s0;
	s0 =	simm.s32 @!p2 $0x0  }
0x16: {  	s3 =	sld [smem:$0x3FDB];
	s0 =	simm.s32 @p2 $0x1  }
0x17: {  	s4 =	simm.s32 $0x1BF5;
	[smem:$0x3FB4] =	sst s0  }
0x18: {  	s0 =	sld [smem:$0x3F97];
	_ =	swait.ge [sflag:s4], $0x0  }
0x19: {  	s7 =	sld [smem:$0x3F98]  }
0x1a: {  	s8 =	sadd.s32 $0xFFFFE003, lr  }
0x1b: {  	s9 =	sadd.s32 $0xFFFFFEF7, lr;
	s5 =	simm.s32 $0xFFFFFFFF;
	p2 =	slt.u32 s8, $0xFFFFF086  }
0x1c: {  	p1 =	slt.u32 s9, $0xF7A;
	s5 =	simm.s32 @!p2 $0x0  }
0x1d: {  	s5 =	simm.s32 @p1 $0x1;
	p0 =	seq.s32 s7, s2  }
0x1e: {  	s7 =	smul.u32 @!p0 $0xF7A, s2;
	p2 =	seq.s32 @!p0 s5, $0x0  }
0x1f: {  	s9 =	smul.u32 $0xF7A, s1;
	s8 =	simm.s32 @!p0 $0x1BF5;
	p2 =	por !p2, p0  }
0x20: {  	[sflag:s8] =	ssyncset.s32 @!p0 $0xFFFFF086;
	s6 =	sadd.s32 @!p0 s3, s7;
	s7 =	simm.s32 @!p0 $0x108  }
0x21: {  	s3 =	sadd.s32 s3, s9;
	s6 =	sadd.s32 @!p0 $0x88, s6;
	s7 =	simm.s32 @p2 $0x1082  }
0x22: {  	[simem:s7], [sflag:s8] =	dma.local @!p0 [hbm:s6], $0xF7A  }
0x23: {  	s9 =	sor.u32 $0xD0000000, s2;
	s6 =	simm.s32 $0x108;
	_ =	swait.ge @!p0 [sflag:s8], $0x0  }
0x24: {  	s3 =	sadd.s32 $0x88, s3;
	s6 =	simm.s32 @!p1 $0x1082;
	[sflag:s4] =	ssyncset.s32 $0xFFFFF086  }
0x25: {  	[simem:s6], [sflag:s4] =	dma.local [hbm:s3], $0xF7A  }
0x26: {  	[smem:$0x3F98] =	sst s1;
	(tag) =	ssettag s2;
	_ =	strace s9  }
0x27: {  	s1 =	sld [smem:$0x3FA8]  }
0x28: {  	s2 =	sld [smem:$0x3FA9]  }
0x29: {  	s4 =	sld [smem:$0x3FAB]  }
0x2a: {  	p0 =	seq.s32 s5, $0x0;
	s5 =	sld [smem:$0x3FAC]  }
0x2b: {  	s6 =	sld [smem:$0x3FAD]  }
0x2c: {  	s7 =	sld [smem:$0x3FAE]  }
0x2d: {  	s3 =	simm.s32 $0x108;
	s8 =	sld [smem:$0x3FAF]  }
0x2e: {  	s3 =	simm.s32 @!p0 $0x1082;
	s9 =	sld [smem:$0x3FB0]  }
0x2f: {  	lr =	sadd.s32 s0, s3;
	s0 =	sld [smem:$0x3FA7]  }
0x30: {  	s3 =	sld [smem:$0x3FAA]  }
0x31: {  	[smem:$0x3FB3] =	sst s10  }
0x32: {  	s10 =	sld [smem:$0x3FB1];
	_ =	sdelay $0x3  }
0x33: {  	p0 =	seq.s32 s10, $0x1;
	s10 =	sld [smem:$0x3FB3];
	_ =	sdelay $0x3  }
0x34: {  	[smem:$0x3FB3] =	sst s10  }
0x35: {  	s10 =	sld [smem:$0x3FB2];
	_ =	sdelay $0x3  }
0x36: {  	p1 =	seq.s32 s10, $0x1;
	s10 =	sld [smem:$0x3FB3];
	_ =	sdelay $0x3  }
0x37: {  	[smem:$0x3FB3] =	sst s10  }
0x38: {  	s10 =	sld [smem:$0x3FB4]  }
0x39: {  	_ = 	snop;
	(pc) =	sbr.ind lr, $3  }
0x3a: {  	_ = 	snop  }
0x3b: {  	_ = 	snop  }
0x3c: {  	p2 =	seq.s32 s10, $0x1;
	s10 =	sld [smem:$0x3FB3]  }
0x3d: {  	_ =	shalt  }
0x3e: {  	_ =	shalt  }
0x3f: {  	_ =	shalt  }
0x40: {  	_ =	shalt  }
0x41: {  	_ =	shalt  }
0x42: {  	_ =	shalt  }
0x43: {  	_ =	shalt  }
0x44: {  	_ =	shalt  }
0x45: {  	_ =	shalt  }
0x46: {  	_ =	shalt  }
0x47: {  	_ =	shalt  }
0x48: {  	_ =	shalt  }
0x49: {  	_ =	shalt  }
0x4a: {  	_ =	shalt  }
0x4b: {  	_ =	shalt  }
0x4c: {  	_ =	shalt  }
0x4d: {  	_ =	shalt  }
0x4e: {  	_ =	shalt  }
0x4f: {  	_ =	shalt  }
0x50: {  	_ =	shalt  }
0x51: {  	_ =	shalt  }
0x52: {  	_ =	shalt  }
0x53: {  	_ =	shalt  }
0x54: {  	_ =	shalt  }
0x55: {  	_ =	shalt  }
0x56: {  	_ =	shalt  }
0x57: {  	_ =	shalt  }
0x58: {  	_ =	shalt  }
0x59: {  	_ =	shalt  }
0x5a: {  	_ =	shalt  }
0x5b: {  	_ =	shalt  }
0x5c: {  	_ =	shalt  }
0x5d: {  	_ =	shalt  }
0x5e: {  	_ =	shalt  }
0x5f: {  	_ =	shalt  }
0x60: {  	_ =	shalt  }
0x61: {  	_ =	shalt  }
0x62: {  	_ =	shalt  }
0x63: {  	_ =	shalt  }
0x64: {  	_ =	shalt  }
0x65: {  	_ =	shalt  }
0x66: {  	_ =	shalt  }
0x67: {  	_ =	shalt  }
0x68: {  	_ =	shalt  }
0x69: {  	_ =	shalt  }
0x6a: {  	_ =	shalt  }
0x6b: {  	_ =	shalt  }
0x6c: {  	_ =	shalt  }
0x6d: {  	_ =	shalt  }
0x6e: {  	_ =	shalt  }
0x6f: {  	_ =	shalt  }
0x70: {  	_ =	shalt  }
0x71: {  	_ =	shalt  }
0x72: {  	_ =	shalt  }
0x73: {  	_ =	shalt  }
0x74: {  	_ =	shalt  }
0x75: {  	_ =	shalt  }
0x76: {  	_ =	shalt  }
0x77: {  	_ =	shalt  }
0x78: {  	_ =	shalt  }
0x79: {  	_ =	shalt  }
0x7a: {  	_ =	shalt  }
0x7b: {  	_ =	shalt  }
0x7c: {  	_ =	shalt  }
0x7d: {  	_ =	shalt  }
0x7e: {  	_ =	shalt  }
0x7f: {  	_ =	shalt  }
0x80: {  	_ =	shalt  }
0x81: {  	_ =	shalt  }
0x82: {  	_ =	shalt  }
0x83: {  	_ =	shalt  }
0x84: {  	_ =	shalt  }
0x85: {  	_ =	shalt  }
0x86: {  	_ =	shalt  }
0x87: {  	_ =	shalt  }
.Lfunc_end0:
.L_simem_size_0:
called_computation.4_lowered:
.L_overlay_start_0:
0x88: {  	s2 =	sld [smem:$0x3FD9]  }
0x89: {  	s3 =	sld [smem:$0x3FFE];
	_ =	sdelay $0x1  }
0x8a: {  	s1 =	srdreg.scid  }
0x8b: {  	s0 =	sand.u32 $0x1, s1  }
0x8c: {  	s17 =	sshll.u32 s0, $0xA;
	s2 =	sadd.s32 s3, s2  }
0x8d: {  	s2 =	sadd.s32 s2, s17  }
0x8e: {  	[smem:$0x3FBF] =	sst s2  }
0x8f: {  	_ = 	snop  }
0x90: {  	(tm) =	ssettm $0x1  }
0x91: {  	s18 =	sld [smem:$0x3FFB];
	_ =	sdelay $0x3  }
0x92: {  	_ =	strace s18  }
0x93: {  	s2 =	sld [smem:$0x3FFC];
	_ =	sdelay $0x3  }
0x94: {  	_ =	strace s2  }
0x95: {  	s2 =	sld [smem:$0x3FFD];
	_ =	sdelay $0x3  }
0x96: {  	_ =	strace s2  }
0x97: {  	_ =	strace $0x8FFFFFFF  }
0x98: {  	s19 =	sld [smem:$0x3FDB];
	_ =	sdelay $0x1  }
0x99: {  	s20 =	simm.s32 $_scs_section_size  }
0x9a: {  	s4 =	simm.s32 $_size__tile_overlayer_lowered;
	s5 =	simm.s32 $_tile_overlayer_lowered  }
0x9b: {  	s6 =	simm.s32 $0x1BFF;
	s21 =	sshll.u32 s5, $0x1;
	s3 =	sadd.s32 s20, s19  }
0x9c: {  	s22 =	simm.s32 $0x0;
	s4 =	sshll.u32 s4, $0x1;
	s5 =	sadd.s32 s21, s3  }
0x9d: {  	[timem:s22], [sflag:s6] =	dma.local [hbm:s5], s4  }
0x9e: {  	_ =	swait.ge [sflag:s6], s4  }
0x9f: {  	s4 =	ssub.s32 $0x0, s4;
	[sflag:s6] =	ssyncset.done $0x0  }
0xa0: {  	[sflag:s6] =	ssyncadd.s32 s4;
	_ =	sdelay $0x1  }
0xa1: {  	s23 =	simm.s32 $0x1B8B  }
0xa2: {  	_ =	swait.ge [sflag:s23], $0x1  }
0xa3: {  	[sflag:s23] =	ssyncset.done $0x0  }
0xa4: {  	[sflag:s23] =	ssyncadd.s32 $0xFFFFFFFF  }
0xa5: {  	s4 =	sld [smem:$0x0]  }
0xa6: {  	s5 =	sand.u32 $0xFFFFFFFE, s1  }
0xa7: {  	p0 =	sne.s32 s1, s5  }
0xa8: {  	s5 =	sshll.u32 @p0 s5, $0xE  }
0xa9: {  	s5 =	sadd.s32 @p0 $0x11B8D, s5;
	s6 =	sshll.u32 @p0 s4, $0x11  }
0xaa: {  	s5 =	sor.u32 @p0 s6, s5  }
0xab: {  	[sflag:s5] =	ssyncadd.remote.s32 @p0 $0x1;
	_ =	sdelay $0x1  }
0xac: {  	s5 =	simm.s32 @p0 $0x1B8D  }
0xad: {  	_ =	swait.eq @p0 [sflag:s5], $0x1  }
0xae: {  	[sflag:s5] =	ssyncadd.s32 @p0 $0xFFFFFFFF  }
0xaf: {  	s6 =	sshll.u32 @!p0 s1, $0xE  }
0xb0: {  	s6 =	sor.u32 @!p0 $0x4000, s6;
	s5 =	simm.s32 @!p0 $0x1B8D  }
0xb1: {  	s4 =	sshll.u32 @!p0 s4, $0x11;
	s6 =	sadd.s32 @!p0 $0x11B8D, s6;
	_ =	swait.eq @!p0 [sflag:s5], $0x1  }
0xb2: {  	s4 =	sor.u32 @!p0 s4, s6;
	[sflag:s5] =	ssyncadd.s32 @!p0 $0xFFFFFFFF  }
0xb3: {  	s25 =	simm.s32 $0x1B8E;
	s24 =	sld [smem:$0x3FFE];
	[sflag:s4] =	ssyncadd.remote.s32 @!p0 $0x1  }
0xb4: {  	s26 =	simm.s32 $execute0_lowered;
	[smem:$0x3FD2] =	sst s25  }
0xb5: {  	s5 =	sshll.u32 s26, $0x1;
	_ =	strace $0x80000052;
	[dreg:$0x1] =	wrdreg $0xFFFFFFFF  }
0xb6: {  	s28 =	simm.s32 $_size_execute0_lowered;
	s3 =	sadd.s32 s3, s5;
	[dreg:$0x0] =	wrdreg $0x0  }
0xb7: {  	s5 =	sshll.u32 s28, $0x1;
	[dreg:$0x2] =	wrdreg s3  }
0xb8: {  	[dreg:$0x3] =	wrdreg s5  }
0xb9: {  	[dreg:$0x4] =	wrdreg $0xC0  }
0xba: {  	_ =	task [dreg:s22], $0x5FFFF  }
0xbb: {  	[dreg:$0x1] =	wrdreg $0xFFFFFFFF  }
0xbc: {  	[dreg:$0x0] =	wrdreg $0x60  }
0xbd: {  	[dreg:$0x2] =	wrdreg s24  }
0xbe: {  	[dreg:$0x3] =	wrdreg $0xA  }
0xbf: {  	_ =	task.clear_ibuf [dreg:s22], $0x4FFFF;
	_ =	strace $0x90000052  }
0xc0: {  	s29 =	simm.s32 $0xA;
	_ =	strace $0x80000054  }
0xc1: {  	_ =	swait.ge [sflag:s29], $0x1  }
0xc2: {  	[sflag:s29] =	ssyncadd.s32 $0xFFFFFFFF  }
0xc3: {  	_ =	strace $0x90000054  }
0xc4: {  	_ =	sfence  }
0xc5: {  	s30 =	sld [smem:$0x0];
	_ =	sdelay $0x2  }
0xc6: {  	s31 =	sshll.u32 s1, $0xD;
	s1 =	sshrl.u32 s1, $0x2  }
0xc7: {  	s4 =	sand.u32 $0x4000, s31;
	s1 =	sadd.s32 s1, s30  }
0xc8: {  	s0 =	sor.u32 s4, s0;
	s1 =	sshll.u32 s1, $0x11  }
0xc9: {  	s0 =	sor.u32 s1, s0  }
0xca: {  	s0 =	sadd.s32 $0x8F2B, s0  }
0xcb: {  	[sflag:s0] =	ssyncadd.remote.s32 $0x1  }
0xcc: {  	_ =	sfence.sel $0xFFFF  }
0xcd: {  	[dreg:$0x0] =	wrdreg $0xFFFFFFFF;
	(pc) =	sbr.abs _section_cstart, $3  }
0xce: {  	[dreg:$0x1] =	wrdreg $0xFFFFFFFF  }
0xcf: {  	_ =	task.clear_ibuf [dreg:s22], $0x2FFFF;
	_ =	strace $0x9FFFFFFF  }
0xd0: {  	(tm) =	ssettm $0x7FFFFFFF  }
0xd1: {  	_ =	shalt  }
tec
execute0_lowered:
.L_overlay_start_1:
0x0: {  	(tag) =	ssettag $0x1  }
0x1: {  	s4 =	rddreg [dreg:$0x0]  }
0x2: {  	s0 =	rddreg [dreg:$0x1];
	s2 =	simm.s32 $0x0;
	s3 =	srdreg.scid  }
0x3: {  	s1 =	stileid.u32;
	s10 =	simm.s32 $0x0;
	[smem:$0x7FF] =	sst s2  }
0x4: {  	s5 =	sand.u32 $0x1, s3;
	s6 =	sshll.u32 s1, $0xD;
	s3 =	sadd.s32 $0x2AC800, s4  }
0x5: {  	s8 =	sshll.u32 s1, $0x11;
	_ =	strace $0x80000053;
	s7 =	sshll.u32 s5, $0xC  }
0x6: {  	s31 =	ssub.s32 $0x2, s5;
	s8 =	sadd.s32 s8, s4;
	s5 =	sshll.u32 s5, $0x10  }
0x7: {  	s6 =	sor.u32 s7, s6;
	s9 =	sshrl.u32 s31, $0x1;
	s5 =	sadd.s32 s5, s8  }
0x8: {  	s8 =	simm.s32 $0x80;
	s6 =	sshrl.u32 s6, $0x3;
	s7 =	ssub.s32 s31, s9  }
0x9: {  	s5 =	sadd.s32 $0x2CC800, s5;
	s9 =	simm.s32 $0x1;
	s6 =	sadd.s32 s6, s4  }
0xa: {  	s4 =	smax.u32 s7, $0x1;
	s7 =	simm.s32 $0x2;
	s6 =	sadd.s32 $0x64800, s6  }
.LBB2_1:
0xb: {  	s11 =	sadd.s32 $0x0, s6  }
0xc: {  	[tilespmem:s2], [sflag:$0x2] =	stream.linear.gather [hbm4b:s11+s2], $0x80, $0x38;
	[tilespmem:$0x4080] =	vst v63  }
0xd: {  	_ =	swait.ge [sflag:s7], $0x80  }
0xe: {  	[sflag:s7] =	ssyncset.done $0x0  }
0xf: {  	[sflag:s7] =	ssyncadd.s32 $0xFFFFFF80  }
0x10: {  	[tilespmem:s8], [sflag:$0x1] =	stream.indirect.gather [hbm4b:s3+s8], $0x80, s2, s8, $0xb8;
	[tilespmem:$0x4080] =	vst v63  }
0x11: {  	_ =	swait.ge [sflag:s9], $0x4000  }
0x12: {  	[sflag:s9] =	ssyncset.done $0x0  }
0x13: {  	[sflag:s9] =	ssyncadd.s32 $0xFFFFC000  }
0x14: {  	[hbm4b:s5+s2] =	stream.linear.scatter [tilespmem:s8], [sflag:$0x2], $0x4000, $0x38;
	[tilespmem:$0x4080] =	vst v63  }
0x15: {  	s12 =	simm.s32 $0x10;
	_ =	swait.ge [sflag:s7], $0x4000  }
0x16: {  	s13 =	simm.s32 $0x20;
	s11 =	sadd.s32 $0x800, s5;
	[sflag:s7] =	ssyncset.done $0x0  }
.LBB2_2:
0x17: {  	s14 =	sadd.s32 s12, s6  }
0x18: {  	[sflag:s7] =	ssyncadd.s32 $0xFFFFC000;
	s12 =	smov.u32 s13;
	s15 =	sadd.s32 $0x10, s13  }
0x19: {  	[tilespmem:s2], [sflag:$0x2] =	stream.linear.gather [hbm4b:s14+s2], $0x80, $0x38;
	[tilespmem:$0x4080] =	vst v63  }
0x1a: {  	p0 =	sne.s32 s13, $0x1F0;
	_ =	swait.ge [sflag:s7], $0x80  }
0x1b: {  	[sflag:s7] =	ssyncset.done $0x0  }
0x1c: {  	[sflag:s7] =	ssyncadd.s32 $0xFFFFFF80  }
0x1d: {  	[tilespmem:s8], [sflag:$0x1] =	stream.indirect.gather [hbm4b:s3+s8], $0x80, s2, s8, $0xb8;
	[tilespmem:$0x4080] =	vst v63  }
0x1e: {  	_ =	swait.ge [sflag:s9], $0x4000  }
.Ltmp0:
0x1f: {  	[sflag:s9] =	ssyncset.done $0x0;
	(pc) =	sbr.rel @p0 .LBB2_2-.Ltmp0, $4  }
0x20: {  	[sflag:s9] =	ssyncadd.s32 $0xFFFFC000  }
0x21: {  	[hbm4b:s11+s2] =	stream.linear.scatter [tilespmem:s8], [sflag:$0x2], $0x4000, $0x38;
	[tilespmem:$0x4080] =	vst v63  }
0x22: {  	_ =	swait.ge [sflag:s7], $0x4000  }
0x23: {  	s13 =	smov.u32 s15;
	s11 =	sadd.s32 $0x800, s11;
	[sflag:s7] =	ssyncset.done $0x0  }
0x24: {  	s12 =	sadd.s32 s12, s6;
	[sflag:s7] =	ssyncadd.s32 $0xFFFFC000  }
0x25: {  	[tilespmem:s2], [sflag:$0x2] =	stream.linear.gather [hbm4b:s12+s2], $0x80, $0x38;
	[tilespmem:$0x4080] =	vst v63  }
0x26: {  	_ =	swait.ge [sflag:s7], $0x80  }
0x27: {  	[sflag:s7] =	ssyncset.done $0x0  }
0x28: {  	[sflag:s7] =	ssyncadd.s32 $0xFFFFFF80  }
0x29: {  	[tilespmem:s8], [sflag:$0x1] =	stream.indirect.gather [hbm4b:s3+s8], $0x80, s2, s8, $0xb8;
	[tilespmem:$0x4080] =	vst v63  }
0x2a: {  	s10 =	sadd.s32 $0x1, s10;
	_ =	swait.ge [sflag:s9], $0x4000  }
0x2b: {  	p0 =	sne.s32 s10, s4;
	[sflag:s9] =	ssyncset.done $0x0  }
.Ltmp1:
0x2c: {  	[sflag:s9] =	ssyncadd.s32 $0xFFFFC000;
	(pc) =	sbr.rel @p0 .LBB2_1-.Ltmp1, $4  }
0x2d: {  	[hbm4b:s11+s2] =	stream.linear.scatter [tilespmem:s8], [sflag:$0x2], $0x4000, $0x38;
	[tilespmem:$0x4080] =	vst v63  }
0x2e: {  	_ =	swait.ge [sflag:s7], $0x4000  }
0x2f: {  	[sflag:s7] =	ssyncset.done $0x0  }
0x30: {  	[sflag:s7] =	ssyncadd.s32 $0xFFFFC000  }
0x31: {  	_ =	sfence.sel $0x180000  }
0x32: {  	[bflag:$0x0] =	sbarrier.arrive $0xFFFF  }
0x33: {  	p0 =	sne.s32 s1, $0x0;
	_ =	strace $0x90000053  }
0x34: {  	s0 =	sadd.s32 @!p0 $0x100000, s0;
	[bflag:$0x2] =	sbarrier.arrive $0xFFFF  }
0x35: {  	[sflag:s0] =	ssyncadd.tile.s32 @!p0 $0x1;
	_ =	shalt  }
.Lfunc_end2:
_tile_overlayer_lowered:
.L_overlay_start_2:
0x36: {  	(tag) =	ssettag $0x2  }
0x37: {  	s0 =	rddreg [dreg:$0x0];
	s2 =	stileid.u32  }
0x38: {  	s1 =	rddreg [dreg:$0x1];
	p0 =	sne.s32 s2, $0x0  }
0x39: {  	s3 =	rddreg [dreg:$0x2];
	[bflag:$0x3] =	sbarrier.arrive $0xFFFF;
	s2 =	simm.s32 @!p0 $0x1C02  }
0x3a: {  	[timem:s3], [sflag:s2] =	dma.local @!p0 [hbm:s0], s1  }
0x3b: {  	s0 =	simm.s32 @!p0 $0x2  }
0x3c: {  	_ =	swait.ge @!p0 [sflag:s0], s1  }
0x3d: {  	s1 =	ssub.s32 @!p0 $0x0, s1;
	[sflag:s0] =	ssyncset.done @!p0 $0x0  }
0x3e: {  	[sflag:s0] =	ssyncadd.s32 @!p0 s1  }
0x3f: {  	[bflag:$0x3] =	sbarrier.arrive $0xFFFF  }
0x40: {  	_ =	shalt  }

// kernel: kernel.41.cloned.1.call-start
scs
__scs_entry_jumppad:
0x0: {  	(pc) =	sbr.rel $0x88, $3  }
0x1: {  	(tag) =	ssettag $0x0;
	lr =	simm.s32 $0x1  }
0x2: {  	[smem:$0x3F98] =	sst lr;
	_ =	strace $0xD0000000  }
0x3: {  	_ = 	snop  }
0x4: {  	_ = 	snop  }
0x5: {  	_ = 	snop  }
0x6: {  	_ = 	snop  }
0x7: {  	_ = 	snop  }
__scs_overlays_trampoline_lowered:
0x8: {  	[smem:$0x3FA7] =	sst s0  }
0x9: {  	[smem:$0x3FA8] =	sst s1  }
0xa: {  	[smem:$0x3FA9] =	sst s2  }
0xb: {  	[smem:$0x3FAA] =	sst s3  }
0xc: {  	[smem:$0x3FAB] =	sst s4  }
0xd: {  	[smem:$0x3FAC] =	sst s5  }
0xe: {  	[smem:$0x3FAD] =	sst s6  }
0xf: {  	[smem:$0x3FAE] =	sst s7  }
0x10: {  	[smem:$0x3FAF] =	sst s8  }
0x11: {  	[smem:$0x3FB0] =	sst s9;
	s0 =	simm.s32 @!p0 $0x0  }
0x12: {  	s1 =	sld [smem:$0x3F96];
	s0 =	simm.s32 @p0 $0x1  }
0x13: {  	[smem:$0x3FB1] =	sst s0;
	s0 =	simm.s32 @!p1 $0x0  }
0x14: {  	s2 =	sld [smem:$0x3F95];
	s0 =	simm.s32 @p1 $0x1  }
0x15: {  	[smem:$0x3FB2] =	sst s0;
	s0 =	simm.s32 @!p2 $0x0  }
0x16: {  	s3 =	sld [smem:$0x3FDB];
	s0 =	simm.s32 @p2 $0x1  }
0x17: {  	s4 =	simm.s32 $0x1BF5;
	[smem:$0x3FB4] =	sst s0  }
0x18: {  	s0 =	sld [smem:$0x3F97];
	_ =	swait.ge [sflag:s4], $0x0  }
0x19: {  	s7 =	sld [smem:$0x3F98]  }
0x1a: {  	s8 =	sadd.s32 $0xFFFFE003, lr  }
0x1b: {  	s9 =	sadd.s32 $0xFFFFFEF7, lr;
	s5 =	simm.s32 $0xFFFFFFFF;
	p2 =	slt.u32 s8, $0xFFFFF086  }
0x1c: {  	p1 =	slt.u32 s9, $0xF7A;
	s5 =	simm.s32 @!p2 $0x0  }
0x1d: {  	s5 =	simm.s32 @p1 $0x1;
	p0 =	seq.s32 s7, s2  }
0x1e: {  	s7 =	smul.u32 @!p0 $0xF7A, s2;
	p2 =	seq.s32 @!p0 s5, $0x0  }
0x1f: {  	s9 =	smul.u32 $0xF7A, s1;
	s8 =	simm.s32 @!p0 $0x1BF5;
	p2 =	por !p2, p0  }
0x20: {  	[sflag:s8] =	ssyncset.s32 @!p0 $0xFFFFF086;
	s6 =	sadd.s32 @!p0 s3, s7;
	s7 =	simm.s32 @!p0 $0x108  }
0x21: {  	s3 =	sadd.s32 s3, s9;
	s6 =	sadd.s32 @!p0 $0x88, s6;
	s7 =	simm.s32 @p2 $0x1082  }
0x22: {  	[simem:s7], [sflag:s8] =	dma.local @!p0 [hbm:s6], $0xF7A  }
0x23: {  	s9 =	sor.u32 $0xD0000000, s2;
	s6 =	simm.s32 $0x108;
	_ =	swait.ge @!p0 [sflag:s8], $0x0  }
0x24: {  	s3 =	sadd.s32 $0x88, s3;
	s6 =	simm.s32 @!p1 $0x1082;
	[sflag:s4] =	ssyncset.s32 $0xFFFFF086  }
0x25: {  	[simem:s6], [sflag:s4] =	dma.local [hbm:s3], $0xF7A  }
0x26: {  	[smem:$0x3F98] =	sst s1;
	(tag) =	ssettag s2;
	_ =	strace s9  }
0x27: {  	s1 =	sld [smem:$0x3FA8]  }
0x28: {  	s2 =	sld [smem:$0x3FA9]  }
0x29: {  	s4 =	sld [smem:$0x3FAB]  }
0x2a: {  	p0 =	seq.s32 s5, $0x0;
	s5 =	sld [smem:$0x3FAC]  }
0x2b: {  	s6 =	sld [smem:$0x3FAD]  }
0x2c: {  	s7 =	sld [smem:$0x3FAE]  }
0x2d: {  	s3 =	simm.s32 $0x108;
	s8 =	sld [smem:$0x3FAF]  }
0x2e: {  	s3 =	simm.s32 @!p0 $0x1082;
	s9 =	sld [smem:$0x3FB0]  }
0x2f: {  	lr =	sadd.s32 s0, s3;
	s0 =	sld [smem:$0x3FA7]  }
0x30: {  	s3 =	sld [smem:$0x3FAA]  }
0x31: {  	[smem:$0x3FB3] =	sst s10  }
0x32: {  	s10 =	sld [smem:$0x3FB1];
	_ =	sdelay $0x3  }
0x33: {  	p0 =	seq.s32 s10, $0x1;
	s10 =	sld [smem:$0x3FB3];
	_ =	sdelay $0x3  }
0x34: {  	[smem:$0x3FB3] =	sst s10  }
0x35: {  	s10 =	sld [smem:$0x3FB2];
	_ =	sdelay $0x3  }
0x36: {  	p1 =	seq.s32 s10, $0x1;
	s10 =	sld [smem:$0x3FB3];
	_ =	sdelay $0x3  }
0x37: {  	[smem:$0x3FB3] =	sst s10  }
0x38: {  	s10 =	sld [smem:$0x3FB4]  }
0x39: {  	_ = 	snop;
	(pc) =	sbr.ind lr, $3  }
0x3a: {  	_ = 	snop  }
0x3b: {  	_ = 	snop  }
0x3c: {  	p2 =	seq.s32 s10, $0x1;
	s10 =	sld [smem:$0x3FB3]  }
0x3d: {  	_ =	shalt  }
0x3e: {  	_ =	shalt  }
0x3f: {  	_ =	shalt  }
0x40: {  	_ =	shalt  }
0x41: {  	_ =	shalt  }
0x42: {  	_ =	shalt  }
0x43: {  	_ =	shalt  }
0x44: {  	_ =	shalt  }
0x45: {  	_ =	shalt  }
0x46: {  	_ =	shalt  }
0x47: {  	_ =	shalt  }
0x48: {  	_ =	shalt  }
0x49: {  	_ =	shalt  }
0x4a: {  	_ =	shalt  }
0x4b: {  	_ =	shalt  }
0x4c: {  	_ =	shalt  }
0x4d: {  	_ =	shalt  }
0x4e: {  	_ =	shalt  }
0x4f: {  	_ =	shalt  }
0x50: {  	_ =	shalt  }
0x51: {  	_ =	shalt  }
0x52: {  	_ =	shalt  }
0x53: {  	_ =	shalt  }
0x54: {  	_ =	shalt  }
0x55: {  	_ =	shalt  }
0x56: {  	_ =	shalt  }
0x57: {  	_ =	shalt  }
0x58: {  	_ =	shalt  }
0x59: {  	_ =	shalt  }
0x5a: {  	_ =	shalt  }
0x5b: {  	_ =	shalt  }
0x5c: {  	_ =	shalt  }
0x5d: {  	_ =	shalt  }
0x5e: {  	_ =	shalt  }
0x5f: {  	_ =	shalt  }
0x60: {  	_ =	shalt  }
0x61: {  	_ =	shalt  }
0x62: {  	_ =	shalt  }
0x63: {  	_ =	shalt  }
0x64: {  	_ =	shalt  }
0x65: {  	_ =	shalt  }
0x66: {  	_ =	shalt  }
0x67: {  	_ =	shalt  }
0x68: {  	_ =	shalt  }
0x69: {  	_ =	shalt  }
0x6a: {  	_ =	shalt  }
0x6b: {  	_ =	shalt  }
0x6c: {  	_ =	shalt  }
0x6d: {  	_ =	shalt  }
0x6e: {  	_ =	shalt  }
0x6f: {  	_ =	shalt  }
0x70: {  	_ =	shalt  }
0x71: {  	_ =	shalt  }
0x72: {  	_ =	shalt  }
0x73: {  	_ =	shalt  }
0x74: {  	_ =	shalt  }
0x75: {  	_ =	shalt  }
0x76: {  	_ =	shalt  }
0x77: {  	_ =	shalt  }
0x78: {  	_ =	shalt  }
0x79: {  	_ =	shalt  }
0x7a: {  	_ =	shalt  }
0x7b: {  	_ =	shalt  }
0x7c: {  	_ =	shalt  }
0x7d: {  	_ =	shalt  }
0x7e: {  	_ =	shalt  }
0x7f: {  	_ =	shalt  }
0x80: {  	_ =	shalt  }
0x81: {  	_ =	shalt  }
0x82: {  	_ =	shalt  }
0x83: {  	_ =	shalt  }
0x84: {  	_ =	shalt  }
0x85: {  	_ =	shalt  }
0x86: {  	_ =	shalt  }
0x87: {  	_ =	shalt  }
.Lfunc_end0:
.L_simem_size_0:
called_computation.5_lowered:
.L_overlay_start_0:
0x88: {  	s2 =	sld [smem:$0x3FD9]  }
0x89: {  	s3 =	sld [smem:$0x3FFE];
	_ =	sdelay $0x1  }
0x8a: {  	s1 =	srdreg.scid  }
0x8b: {  	s0 =	sand.u32 $0x1, s1  }
0x8c: {  	s17 =	sshll.u32 s0, $0xA;
	s2 =	sadd.s32 s3, s2  }
0x8d: {  	s2 =	sadd.s32 s2, s17  }
0x8e: {  	[smem:$0x3FBF] =	sst s2  }
0x8f: {  	_ = 	snop  }
0x90: {  	(tm) =	ssettm $0x1  }
0x91: {  	s18 =	sld [smem:$0x3FFB];
	_ =	sdelay $0x3  }
0x92: {  	_ =	strace s18  }
0x93: {  	s2 =	sld [smem:$0x3FFC];
	_ =	sdelay $0x3  }
0x94: {  	_ =	strace s2  }
0x95: {  	s2 =	sld [smem:$0x3FFD];
	_ =	sdelay $0x3  }
0x96: {  	_ =	strace s2  }
0x97: {  	_ =	strace $0x8FFFFFFF  }
0x98: {  	s19 =	sld [smem:$0x3FDB];
	_ =	sdelay $0x1  }
0x99: {  	s20 =	simm.s32 $_scs_section_size  }
0x9a: {  	s4 =	simm.s32 $_size__tile_overlayer_lowered;
	s5 =	simm.s32 $_tile_overlayer_lowered  }
0x9b: {  	s6 =	simm.s32 $0x1BFF;
	s21 =	sshll.u32 s5, $0x1;
	s3 =	sadd.s32 s20, s19  }
0x9c: {  	s22 =	simm.s32 $0x0;
	s4 =	sshll.u32 s4, $0x1;
	s5 =	sadd.s32 s21, s3  }
0x9d: {  	[timem:s22], [sflag:s6] =	dma.local [hbm:s5], s4  }
0x9e: {  	_ =	swait.ge [sflag:s6], s4  }
0x9f: {  	s4 =	ssub.s32 $0x0, s4;
	[sflag:s6] =	ssyncset.done $0x0  }
0xa0: {  	[sflag:s6] =	ssyncadd.s32 s4;
	_ =	sdelay $0x1  }
0xa1: {  	s23 =	simm.s32 $0x1B8B  }
0xa2: {  	_ =	swait.ge [sflag:s23], $0x1  }
0xa3: {  	[sflag:s23] =	ssyncset.done $0x0  }
0xa4: {  	[sflag:s23] =	ssyncadd.s32 $0xFFFFFFFF  }
0xa5: {  	s4 =	sld [smem:$0x0]  }
0xa6: {  	s5 =	sand.u32 $0xFFFFFFFE, s1  }
0xa7: {  	p0 =	sne.s32 s1, s5  }
0xa8: {  	s5 =	sshll.u32 @p0 s5, $0xE  }
0xa9: {  	s5 =	sadd.s32 @p0 $0x11B8D, s5;
	s6 =	sshll.u32 @p0 s4, $0x11  }
0xaa: {  	s5 =	sor.u32 @p0 s6, s5  }
0xab: {  	[sflag:s5] =	ssyncadd.remote.s32 @p0 $0x1;
	_ =	sdelay $0x1  }
0xac: {  	s5 =	simm.s32 @p0 $0x1B8D  }
0xad: {  	_ =	swait.eq @p0 [sflag:s5], $0x1  }
0xae: {  	[sflag:s5] =	ssyncadd.s32 @p0 $0xFFFFFFFF  }
0xaf: {  	s6 =	sshll.u32 @!p0 s1, $0xE  }
0xb0: {  	s6 =	sor.u32 @!p0 $0x4000, s6;
	s5 =	simm.s32 @!p0 $0x1B8D  }
0xb1: {  	s4 =	sshll.u32 @!p0 s4, $0x11;
	s6 =	sadd.s32 @!p0 $0x11B8D, s6;
	_ =	swait.eq @!p0 [sflag:s5], $0x1  }
0xb2: {  	s4 =	sor.u32 @!p0 s4, s6;
	[sflag:s5] =	ssyncadd.s32 @!p0 $0xFFFFFFFF  }
0xb3: {  	s25 =	simm.s32 $0x1B8E;
	s24 =	sld [smem:$0x3FFE];
	[sflag:s4] =	ssyncadd.remote.s32 @!p0 $0x1  }
0xb4: {  	s26 =	simm.s32 $execute0_lowered;
	[smem:$0x3FD2] =	sst s25  }
0xb5: {  	s5 =	sshll.u32 s26, $0x1;
	_ =	strace $0x80000055;
	[dreg:$0x1] =	wrdreg $0xFFFFFFFF  }
0xb6: {  	s28 =	simm.s32 $_size_execute0_lowered;
	s3 =	sadd.s32 s3, s5;
	[dreg:$0x0] =	wrdreg $0x0  }
0xb7: {  	s5 =	sshll.u32 s28, $0x1;
	[dreg:$0x2] =	wrdreg s3  }
0xb8: {  	[dreg:$0x3] =	wrdreg s5  }
0xb9: {  	[dreg:$0x4] =	wrdreg $0xC0  }
0xba: {  	_ =	task [dreg:s22], $0x5FFFF  }
0xbb: {  	[dreg:$0x1] =	wrdreg $0xFFFFFFFF  }
0xbc: {  	[dreg:$0x0] =	wrdreg $0x60  }
0xbd: {  	[dreg:$0x2] =	wrdreg s24  }
0xbe: {  	[dreg:$0x3] =	wrdreg $0x9  }
0xbf: {  	_ =	task.clear_ibuf [dreg:s22], $0x4FFFF;
	_ =	strace $0x90000055  }
0xc0: {  	s29 =	simm.s32 $0x9;
	_ =	strace $0x80000057  }
0xc1: {  	_ =	swait.ge [sflag:s29], $0x1  }
0xc2: {  	[sflag:s29] =	ssyncadd.s32 $0xFFFFFFFF  }
0xc3: {  	_ =	strace $0x90000057  }
0xc4: {  	_ =	sfence  }
0xc5: {  	s30 =	sld [smem:$0x0];
	_ =	sdelay $0x2  }
0xc6: {  	s31 =	sshll.u32 s1, $0xD;
	s1 =	sshrl.u32 s1, $0x2  }
0xc7: {  	s4 =	sand.u32 $0x4000, s31;
	s1 =	sadd.s32 s1, s30  }
0xc8: {  	s0 =	sor.u32 s4, s0;
	s1 =	sshll.u32 s1, $0x11  }
0xc9: {  	s0 =	sor.u32 s1, s0  }
0xca: {  	s0 =	sadd.s32 $0x8F2B, s0  }
0xcb: {  	[sflag:s0] =	ssyncadd.remote.s32 $0x1  }
0xcc: {  	_ =	sfence.sel $0xFFFF  }
0xcd: {  	[dreg:$0x0] =	wrdreg $0xFFFFFFFF;
	(pc) =	sbr.abs _section_cstart, $3  }
0xce: {  	[dreg:$0x1] =	wrdreg $0xFFFFFFFF  }
0xcf: {  	_ =	task.clear_ibuf [dreg:s22], $0x2FFFF;
	_ =	strace $0x9FFFFFFF  }
0xd0: {  	(tm) =	ssettm $0x7FFFFFFF  }
0xd1: {  	_ =	shalt  }
tec
execute0_lowered:
.L_overlay_start_1:
0x0: {  	(tag) =	ssettag $0x1  }
0x1: {  	s4 =	rddreg [dreg:$0x0]  }
0x2: {  	s0 =	rddreg [dreg:$0x1];
	s2 =	simm.s32 $0x0;
	s3 =	srdreg.scid  }
0x3: {  	s1 =	stileid.u32;
	s10 =	simm.s32 $0x0;
	[smem:$0x7FF] =	sst s2  }
0x4: {  	s5 =	sand.u32 $0x1, s3;
	s6 =	sshll.u32 s1, $0xD;
	s3 =	sadd.s32 $0x6C800, s4  }
0x5: {  	s8 =	sshll.u32 s1, $0x11;
	_ =	strace $0x80000056;
	s7 =	sshll.u32 s5, $0xC  }
0x6: {  	s31 =	ssub.s32 $0x2, s5;
	s8 =	sadd.s32 s8, s4;
	s5 =	sshll.u32 s5, $0x10  }
0x7: {  	s6 =	sor.u32 s7, s6;
	s9 =	sshrl.u32 s31, $0x1;
	s5 =	sadd.s32 s5, s8  }
0x8: {  	s8 =	simm.s32 $0x80;
	s6 =	sshrl.u32 s6, $0x3;
	s7 =	ssub.s32 s31, s9  }
0x9: {  	s5 =	sadd.s32 $0x8C800, s5;
	s9 =	simm.s32 $0x1;
	s6 =	sadd.s32 s6, s4  }
0xa: {  	s4 =	smax.u32 s7, $0x1;
	s7 =	simm.s32 $0x2;
	s6 =	sadd.s32 $0x68800, s6  }
.LBB2_1:
0xb: {  	s11 =	sadd.s32 $0x0, s6  }
0xc: {  	[tilespmem:s2], [sflag:$0x2] =	stream.linear.gather [hbm4b:s11+s2], $0x80, $0x38;
	[tilespmem:$0x4080] =	vst v63  }
0xd: {  	_ =	swait.ge [sflag:s7], $0x80  }
0xe: {  	[sflag:s7] =	ssyncset.done $0x0  }
0xf: {  	[sflag:s7] =	ssyncadd.s32 $0xFFFFFF80  }
0x10: {  	[tilespmem:s8], [sflag:$0x1] =	stream.indirect.gather [hbm4b:s3+s8], $0x80, s2, s8, $0xb8;
	[tilespmem:$0x4080] =	vst v63  }
0x11: {  	_ =	swait.ge [sflag:s9], $0x4000  }
0x12: {  	[sflag:s9] =	ssyncset.done $0x0  }
0x13: {  	[sflag:s9] =	ssyncadd.s32 $0xFFFFC000  }
0x14: {  	[hbm4b:s5+s2] =	stream.linear.scatter [tilespmem:s8], [sflag:$0x2], $0x4000, $0x38;
	[tilespmem:$0x4080] =	vst v63  }
0x15: {  	s12 =	simm.s32 $0x10;
	_ =	swait.ge [sflag:s7], $0x4000  }
0x16: {  	s13 =	simm.s32 $0x20;
	s11 =	sadd.s32 $0x800, s5;
	[sflag:s7] =	ssyncset.done $0x0  }
.LBB2_2:
0x17: {  	s14 =	sadd.s32 s12, s6  }
0x18: {  	[sflag:s7] =	ssyncadd.s32 $0xFFFFC000;
	s12 =	smov.u32 s13;
	s15 =	sadd.s32 $0x10, s13  }
0x19: {  	[tilespmem:s2], [sflag:$0x2] =	stream.linear.gather [hbm4b:s14+s2], $0x80, $0x38;
	[tilespmem:$0x4080] =	vst v63  }
0x1a: {  	p0 =	sne.s32 s13, $0x1F0;
	_ =	swait.ge [sflag:s7], $0x80  }
0x1b: {  	[sflag:s7] =	ssyncset.done $0x0  }
0x1c: {  	[sflag:s7] =	ssyncadd.s32 $0xFFFFFF80  }
0x1d: {  	[tilespmem:s8], [sflag:$0x1] =	stream.indirect.gather [hbm4b:s3+s8], $0x80, s2, s8, $0xb8;
	[tilespmem:$0x4080] =	vst v63  }
0x1e: {  	_ =	swait.ge [sflag:s9], $0x4000  }
.Ltmp0:
0x1f: {  	[sflag:s9] =	ssyncset.done $0x0;
	(pc) =	sbr.rel @p0 .LBB2_2-.Ltmp0, $4  }
0x20: {  	[sflag:s9] =	ssyncadd.s32 $0xFFFFC000  }
0x21: {  	[hbm4b:s11+s2] =	stream.linear.scatter [tilespmem:s8], [sflag:$0x2], $0x4000, $0x38;
	[tilespmem:$0x4080] =	vst v63  }
0x22: {  	_ =	swait.ge [sflag:s7], $0x4000  }
0x23: {  	s13 =	smov.u32 s15;
	s11 =	sadd.s32 $0x800, s11;
	[sflag:s7] =	ssyncset.done $0x0  }
0x24: {  	s12 =	sadd.s32 s12, s6;
	[sflag:s7] =	ssyncadd.s32 $0xFFFFC000  }
0x25: {  	[tilespmem:s2], [sflag:$0x2] =	stream.linear.gather [hbm4b:s12+s2], $0x80, $0x38;
	[tilespmem:$0x4080] =	vst v63  }
0x26: {  	_ =	swait.ge [sflag:s7], $0x80  }
0x27: {  	[sflag:s7] =	ssyncset.done $0x0  }
0x28: {  	[sflag:s7] =	ssyncadd.s32 $0xFFFFFF80  }
0x29: {  	[tilespmem:s8], [sflag:$0x1] =	stream.indirect.gather [hbm4b:s3+s8], $0x80, s2, s8, $0xb8;
	[tilespmem:$0x4080] =	vst v63  }
0x2a: {  	s10 =	sadd.s32 $0x1, s10;
	_ =	swait.ge [sflag:s9], $0x4000  }
0x2b: {  	p0 =	sne.s32 s10, s4;
	[sflag:s9] =	ssyncset.done $0x0  }
.Ltmp1:
0x2c: {  	[sflag:s9] =	ssyncadd.s32 $0xFFFFC000;
	(pc) =	sbr.rel @p0 .LBB2_1-.Ltmp1, $4  }
0x2d: {  	[hbm4b:s11+s2] =	stream.linear.scatter [tilespmem:s8], [sflag:$0x2], $0x4000, $0x38;
	[tilespmem:$0x4080] =	vst v63  }
0x2e: {  	_ =	swait.ge [sflag:s7], $0x4000  }
0x2f: {  	[sflag:s7] =	ssyncset.done $0x0  }
0x30: {  	[sflag:s7] =	ssyncadd.s32 $0xFFFFC000  }
0x31: {  	_ =	sfence.sel $0x180000  }
0x32: {  	[bflag:$0x0] =	sbarrier.arrive $0xFFFF  }
0x33: {  	p0 =	sne.s32 s1, $0x0;
	_ =	strace $0x90000056  }
0x34: {  	s0 =	sadd.s32 @!p0 $0x100000, s0;
	[bflag:$0x2] =	sbarrier.arrive $0xFFFF  }
0x35: {  	[sflag:s0] =	ssyncadd.tile.s32 @!p0 $0x1;
	_ =	shalt  }
.Lfunc_end2:
_tile_overlayer_lowered:
.L_overlay_start_2:
0x36: {  	(tag) =	ssettag $0x2  }
0x37: {  	s0 =	rddreg [dreg:$0x0];
	s2 =	stileid.u32  }
0x38: {  	s1 =	rddreg [dreg:$0x1];
	p0 =	sne.s32 s2, $0x0  }
0x39: {  	s3 =	rddreg [dreg:$0x2];
	[bflag:$0x3] =	sbarrier.arrive $0xFFFF;
	s2 =	simm.s32 @!p0 $0x1C02  }
0x3a: {  	[timem:s3], [sflag:s2] =	dma.local @!p0 [hbm:s0], s1  }
0x3b: {  	s0 =	simm.s32 @!p0 $0x2  }
0x3c: {  	_ =	swait.ge @!p0 [sflag:s0], s1  }
0x3d: {  	s1 =	ssub.s32 @!p0 $0x0, s1;
	[sflag:s0] =	ssyncset.done @!p0 $0x0  }
0x3e: {  	[sflag:s0] =	ssyncadd.s32 @!p0 s1  }
0x3f: {  	[bflag:$0x3] =	sbarrier.arrive $0xFFFF  }
0x40: {  	_ =	shalt  }

</sc_bundles>
